<compile_context>
chip_gen: v7x
topology: tpu7x:2x2x1
jax: 0.10.2.dev20260603
libtpu: 0.0.44.dev20260713+nightly
codegen_flags: <defaults>
</compile_context>

<pallas_src>
import jax
import jax.numpy as jnp
from jax import lax
from jax.experimental import pallas as pl
from jax.experimental.pallas import tpu as pltpu
from jax.experimental.pallas import tpu_sc as plsc

N_CAT = 26
VOCAB = 100000
EMB = 64
N_NUM = 13
BATCH = 16384

NC = 2
NS = 16
NW = NC * NS
E_PER_W = EMB // NW
OUT_CHUNK = 4096
L = 16


NCHUNK = BATCH // OUT_CHUNK


def _sc_gather_body(xcat_t, tables_t, cat_t, idx_v, row_v, out_v, sem_row, sem_out):
    wid = lax.axis_index("s") * NC + lax.axis_index("c")

    @pl.loop(0, N_CAT)
    def _field(i):
        pltpu.sync_copy(xcat_t.at[i], idx_v)
        for de in range(E_PER_W):
            e = wid * E_PER_W + de
            pltpu.async_copy(tables_t.at[i, e], row_v, sem_row).wait()

            pending = [None, None]
            for c in range(NCHUNK):
                b = c % 2
                if pending[b] is not None:
                    pending[b].wait()
                    pending[b] = None

                @pl.loop(0, OUT_CHUNK // L, unroll=8)
                def _vec(k):
                    idxv = idx_v[pl.ds(c * OUT_CHUNK + k * L, L)]
                    out_v[b, pl.ds(k * L, L)] = plsc.load_gather(row_v, [idxv])

                pending[b] = pltpu.async_copy(
                    out_v.at[b],
                    cat_t.at[i, e, pl.ds(c * OUT_CHUNK, OUT_CHUNK)],
                    sem_out,
                )
            for b in range(2):
                if pending[b] is not None:
                    pending[b].wait()


_sc_gather = pl.kernel(
    _sc_gather_body,
    out_type=jax.ShapeDtypeStruct((N_CAT, EMB, BATCH), jnp.float32),
    mesh=plsc.VectorSubcoreMesh(
        core_axis_name="c", subcore_axis_name="s", num_cores=NC, num_subcores=NS
    ),
    scratch_types=[
        pltpu.VMEM((BATCH,), jnp.int32),
        pltpu.VMEM((VOCAB,), jnp.float32),
        pltpu.VMEM((2, OUT_CHUNK), jnp.float32),
        pltpu.SemaphoreType.DMA,
        pltpu.SemaphoreType.DMA,
    ],
    compiler_params=pltpu.CompilerParams(
        use_tc_tiling_on_sc=True, needs_layout_passes=False
    ),
)

BB = 2048


def _tc_proj_body(cat_ref, xn_ref, wn_ref, bn_ref, wfT_ref, bf_ref, out_ref):
    num = jnp.dot(xn_ref[...], wn_ref[...], preferred_element_type=jnp.float32)
    num = num + jnp.sum(bn_ref[...], axis=0, keepdims=True)
    acc = jnp.dot(num, wfT_ref[N_CAT * EMB :, :], preferred_element_type=jnp.float32)
    for i in range(N_CAT):
        acc = acc + lax.dot_general(
            cat_ref[i], wfT_ref[i * EMB : (i + 1) * EMB, :],
            dimension_numbers=(((0,), (0,)), ((), ())),
            preferred_element_type=jnp.float32,
        )
    out_ref[...] = acc + bf_ref[...]


_tc_proj = pl.pallas_call(
    _tc_proj_body,
    grid=(BATCH // BB,),
    in_specs=[
        pl.BlockSpec((N_CAT, EMB, BB), lambda b: (0, 0, b)),
        pl.BlockSpec((BB, N_NUM), lambda b: (b, 0)),
        pl.BlockSpec((N_NUM, EMB), lambda b: (0, 0)),
        pl.BlockSpec((N_NUM, EMB), lambda b: (0, 0)),
        pl.BlockSpec((N_CAT * EMB + EMB, EMB), lambda b: (0, 0)),
        pl.BlockSpec((1, EMB), lambda b: (0, 0)),
    ],
    out_specs=pl.BlockSpec((BB, EMB), lambda b: (b, 0)),
    out_shape=jax.ShapeDtypeStruct((BATCH, EMB), jnp.float32),
)


def kernel(X_cat, X_num, tables, W_num, b_num, W_final, b_final):
    tables_t = tables.transpose(0, 2, 1)
    xcat_t = X_cat.T
    cat_t = _sc_gather(xcat_t, tables_t)
    return _tc_proj(
        cat_t, X_num, W_num, b_num, W_final.T, b_final.reshape(1, EMB)
    )

# --- scband reference (transcript-rebuilt; emitter-appended) ---
"""Pipeline reference for scband-embedder-2662879723756 (READ-ONLY COPY).

The authoritative reference and input builder live on the scoring server;
editing this copy changes nothing except your own understanding.
"""

import jax, jax.numpy as jnp
import numpy as np

N_CAT = 26
VOCAB = 100000
EMB = 64
N_NUM = 13
BATCH = 16384


def setup_inputs(seed: int = 0) -> dict:
    key = jax.random.key(seed)
    ks = jax.random.split(key, 8)
    X_cat = jax.random.randint(ks[0], (BATCH, N_CAT), 0, VOCAB, dtype=jnp.int64 if jax.config.jax_enable_x64 else jnp.int32).astype(jnp.int32)
    X_num = jax.random.normal(ks[1], (BATCH, N_NUM), dtype=jnp.float32)
    # learned params
    tables = jax.random.normal(ks[2], (N_CAT, VOCAB, EMB), dtype=jnp.float32)
    # each numerical feature has its own Linear(1, EMB): weight [EMB,1] -> stored as [N_NUM, EMB]
    W_num = jax.random.normal(ks[3], (N_NUM, EMB), dtype=jnp.float32) * 0.02
    b_num = jax.random.normal(ks[4], (N_NUM, EMB), dtype=jnp.float32) * 0.02
    final_in = N_CAT * EMB + EMB
    W_final = jax.random.normal(ks[5], (EMB, final_in), dtype=jnp.float32) * (1.0 / np.sqrt(final_in))
    b_final = jax.random.normal(ks[6], (EMB,), dtype=jnp.float32) * 0.01
    return {"X_cat": X_cat, "X_num": X_num, "tables": tables, "W_num": W_num,
            "b_num": b_num, "W_final": W_final, "b_final": b_final}


def reference(X_cat, X_num, tables, W_num, b_num, W_final, b_final):
    # CategoricalEmbedder: one embedding lookup per field, concatenated along feature dim
    cat_outs = []
    for i in range(N_CAT):
        cat_outs.append(jnp.take(tables[i], X_cat[:, i], axis=0))  # [B, EMB]
    cat_out = jnp.concatenate(cat_outs, axis=1)  # [B, N_CAT*EMB]
    # Numerical embedder: sum_i Linear_i(x[:, i:i+1]) -> [B, EMB]
    # Linear_i(x) = x * W_i + b_i, so sum = X_num @ W_num + sum(b_num)
    num_out = X_num @ W_num + jnp.sum(b_num, axis=0)  # [B, EMB]
    feats = jnp.concatenate([cat_out, num_out], axis=1)  # [B, N_CAT*EMB + EMB]
    out = feats @ W_final.T + b_final  # [B, EMB]
    return out

if __name__ == "__main__":
    import jax
    _d = setup_inputs()
    print(jax.jit(kernel)(*tuple(_d.values())))

</pallas_src>

<mosaic_0001>
#map = affine_map<(d0, d1) -> (0, 0)>
#map1 = affine_map<(d0, d1) -> (0, 0, 0)>
module attributes {stable_mosaic.version = 14 : i64} {
  func.func @_sc_gather_body(%arg0: i32, %arg1: i32, %arg2: memref<26x16384xi32, #tpu.memory_space<hbm>>, %arg3: memref<26x64x100000xf32, #tpu.memory_space<hbm>>, %arg4: memref<26x64x16384xf32, #tpu.memory_space<hbm>>, %arg5: memref<16384xi32, #tpu.memory_space<vmem>>, %arg6: memref<100000xf32, #tpu.memory_space<vmem>>, %arg7: memref<2x4096xf32, #tpu.memory_space<vmem>>, %arg8: memref<!tpu.dma_semaphore, #tpu.memory_space<semaphore_mem>>, %arg9: memref<!tpu.dma_semaphore, #tpu.memory_space<semaphore_mem>>) attributes {dimension_semantics = [#tpu.dimension_semantics<core_parallel>, #tpu.dimension_semantics<subcore_parallel>], iteration_bounds = array<i64: 2, 16>, scalar_prefetch = 0 : i64, scratch_operands = 5 : i64, tpu.core_type = #tpu.core_type<sc_vector_subcore>, window_params = [{transform_indices = #map}, {transform_indices = #map1}, {transform_indices = #map1}]} {
    %mul3A = arith.constant 2 : i32
    %mul3A_0 = arith.muli %arg1, %mul3A : i32
    %add3A = arith.addi %mul3A_0, %arg0 : i32
    %scan3A = arith.constant 0 : i32
    %scan3A_1 = arith.constant 26 : i32
    %scan3A_2 = arith.addi %scan3A, %scan3A_1 : i32
    %scan3A_3 = arith.constant 1 : i32
    scf.for %scan3A_5 = %scan3A to %scan3A_2 step %scan3A_3  : i32 {
      %mul3A_6 = arith.constant 1 : i32
      %mul3A_7 = arith.muli %scan3A_5, %mul3A_6 : i32
      %add3A_8 = arith.constant 0 : i32
      %add3A_9 = arith.addi %add3A_8, %mul3A_7 : i32
      "tpu.region"() ({
        %run_scoped3A = tpu.sem_alloc : memref<!tpu.dma_semaphore, #tpu.memory_space<semaphore_mem>>
        %dma_start3A_288 = arith.constant 0 : i32
        %dma_start3A_289 = tpu.memref_slice %arg2[%add3A_9, %dma_start3A_288] : memref<26x16384xi32, #tpu.memory_space<hbm>> -> memref<1x16384xi32, #tpu.memory_space<hbm>>
        %dma_start3A_290 = tpu.memref_squeeze %dma_start3A_289 : memref<1x16384xi32, #tpu.memory_space<hbm>> -> memref<16384xi32, #tpu.memory_space<hbm>>
        %dma_start3A_291 = arith.constant 0 : i32
        %dma_start3A_292 = tpu.memref_slice %arg2[%add3A_9, %dma_start3A_291] : memref<26x16384xi32, #tpu.memory_space<hbm>> -> memref<1x16384xi32, #tpu.memory_space<hbm>>
        %dma_start3A_293 = tpu.memref_squeeze %dma_start3A_292 : memref<1x16384xi32, #tpu.memory_space<hbm>> -> memref<16384xi32, #tpu.memory_space<hbm>>
        tpu.enqueue_dma source(%dma_start3A_293 : memref<16384xi32, #tpu.memory_space<hbm>>) target(%arg5 : memref<16384xi32, #tpu.memory_space<vmem>>) target_semaphore(%run_scoped3A : memref<!tpu.dma_semaphore, #tpu.memory_space<semaphore_mem>>)
        %dma_wait3A_294 = arith.constant 0 : i32
        %dma_wait3A_295 = tpu.memref_slice %arg2[%add3A_9, %dma_wait3A_294] : memref<26x16384xi32, #tpu.memory_space<hbm>> -> memref<1x16384xi32, #tpu.memory_space<hbm>>
        %dma_wait3A_296 = tpu.memref_squeeze %dma_wait3A_295 : memref<1x16384xi32, #tpu.memory_space<hbm>> -> memref<16384xi32, #tpu.memory_space<hbm>>
        %dma_wait3A_297 = arith.constant 0 : i32
        %dma_wait3A_298 = tpu.memref_slice %arg2[%add3A_9, %dma_wait3A_297] : memref<26x16384xi32, #tpu.memory_space<hbm>> -> memref<1x16384xi32, #tpu.memory_space<hbm>>
        %dma_wait3A_299 = tpu.memref_squeeze %dma_wait3A_298 : memref<1x16384xi32, #tpu.memory_space<hbm>> -> memref<16384xi32, #tpu.memory_space<hbm>>
        tpu.wait_dma2 semaphore(%run_scoped3A : memref<!tpu.dma_semaphore, #tpu.memory_space<semaphore_mem>>) src(%dma_wait3A_299 : memref<16384xi32, #tpu.memory_space<hbm>>) dst(%arg5 : memref<16384xi32, #tpu.memory_space<vmem>>)
        tpu.yield
      }) : () -> ()
      %mul3A_10 = arith.constant 2 : i32
      %mul3A_11 = arith.muli %add3A, %mul3A_10 : i32
      %add3A_12 = arith.constant 0 : i32
      %add3A_13 = arith.addi %mul3A_11, %add3A_12 : i32
      %dma_start3A = arith.constant 0 : i32
      %dma_start3A_14 = tpu.memref_slice %arg3[%add3A_9, %add3A_13, %dma_start3A] : memref<26x64x100000xf32, #tpu.memory_space<hbm>> -> memref<1x1x100000xf32, #tpu.memory_space<hbm>>
      %dma_start3A_15 = tpu.memref_squeeze %dma_start3A_14 : memref<1x1x100000xf32, #tpu.memory_space<hbm>> -> memref<100000xf32, #tpu.memory_space<hbm>>
      %dma_start3A_16 = arith.constant 0 : i32
      %dma_start3A_17 = tpu.memref_slice %arg3[%add3A_9, %add3A_13, %dma_start3A_16] : memref<26x64x100000xf32, #tpu.memory_space<hbm>> -> memref<1x1x100000xf32, #tpu.memory_space<hbm>>
      %dma_start3A_18 = tpu.memref_squeeze %dma_start3A_17 : memref<1x1x100000xf32, #tpu.memory_space<hbm>> -> memref<100000xf32, #tpu.memory_space<hbm>>
      tpu.enqueue_dma source(%dma_start3A_18 : memref<100000xf32, #tpu.memory_space<hbm>>) target(%arg6 : memref<100000xf32, #tpu.memory_space<vmem>>) target_semaphore(%arg8 : memref<!tpu.dma_semaphore, #tpu.memory_space<semaphore_mem>>)
      %dma_wait3A = arith.constant 0 : i32
      %dma_wait3A_19 = tpu.memref_slice %arg3[%add3A_9, %add3A_13, %dma_wait3A] : memref<26x64x100000xf32, #tpu.memory_space<hbm>> -> memref<1x1x100000xf32, #tpu.memory_space<hbm>>
      %dma_wait3A_20 = tpu.memref_squeeze %dma_wait3A_19 : memref<1x1x100000xf32, #tpu.memory_space<hbm>> -> memref<100000xf32, #tpu.memory_space<hbm>>
      %dma_wait3A_21 = arith.constant 0 : i32
      %dma_wait3A_22 = tpu.memref_slice %arg3[%add3A_9, %add3A_13, %dma_wait3A_21] : memref<26x64x100000xf32, #tpu.memory_space<hbm>> -> memref<1x1x100000xf32, #tpu.memory_space<hbm>>
      %dma_wait3A_23 = tpu.memref_squeeze %dma_wait3A_22 : memref<1x1x100000xf32, #tpu.memory_space<hbm>> -> memref<100000xf32, #tpu.memory_space<hbm>>
      tpu.wait_dma2 semaphore(%arg8 : memref<!tpu.dma_semaphore, #tpu.memory_space<semaphore_mem>>) src(%dma_wait3A_23 : memref<100000xf32, #tpu.memory_space<hbm>>) dst(%arg6 : memref<100000xf32, #tpu.memory_space<vmem>>)
      %scan3A_24 = arith.constant 0 : i32
      %scan3A_25 = arith.constant 256 : i32
      %scan3A_26 = arith.addi %scan3A_24, %scan3A_25 : i32
      %scan3A_27 = arith.constant 8 : i32
      scf.for %scan3A_288 = %scan3A_24 to %scan3A_26 step %scan3A_27  : i32 {
        %mul3A_289 = arith.constant 1 : i32
        %mul3A_290 = arith.muli %scan3A_288, %mul3A_289 : i32
        %add3A_291 = arith.constant 0 : i32
        %add3A_292 = arith.addi %add3A_291, %mul3A_290 : i32
        %mul3A_293 = arith.constant 16 : i32
        %mul3A_294 = arith.muli %add3A_292, %mul3A_293 : i32
        %add3A_295 = arith.constant 0 : i32
        %add3A_296 = arith.addi %add3A_295, %mul3A_294 : i32
        %get3A = arith.index_cast %add3A_296 : i32 to index
        %get3A_297 = tpu.vector_load %arg5[%get3A] {strides = array<i32>} : memref<16384xi32, #tpu.memory_space<vmem>>, vector<16xi32>,
        %gather3A = tpu.vector_load_idx %arg6[%get3A_297] : memref<100000xf32, #tpu.memory_space<vmem>>[vector<16xi32>], vector<16xf32>,
        %mul3A_298 = arith.constant 16 : i32
        %mul3A_299 = arith.muli %add3A_292, %mul3A_298 : i32
        %swap3A = arith.constant 0 : i32
        %swap3A_300 = arith.index_cast %swap3A : i32 to index
        %swap3A_301 = arith.index_cast %mul3A_299 : i32 to index
        %swap3A_302 = tpu.vector_load %arg7[%swap3A_300, %swap3A_301] {strides = array<i32>} : memref<2x4096xf32, #tpu.memory_space<vmem>>, vector<16xf32>,
        tpu.vector_store %arg7[%swap3A_300, %swap3A_301], %gather3A {strides = array<i32>} : memref<2x4096xf32, #tpu.memory_space<vmem>>, vector<16xf32>,
        %scan3A_303 = arith.constant 1 : i32
        %scan3A_304 = arith.addi %scan3A_288, %scan3A_303 : i32
        %mul3A_305 = arith.constant 1 : i32
        %mul3A_306 = arith.muli %scan3A_304, %mul3A_305 : i32
        %add3A_307 = arith.constant 0 : i32
        %add3A_308 = arith.addi %add3A_307, %mul3A_306 : i32
        %mul3A_309 = arith.constant 16 : i32
        %mul3A_310 = arith.muli %add3A_308, %mul3A_309 : i32
        %add3A_311 = arith.constant 0 : i32
        %add3A_312 = arith.addi %add3A_311, %mul3A_310 : i32
        %get3A_313 = arith.index_cast %add3A_312 : i32 to index
        %get3A_314 = tpu.vector_load %arg5[%get3A_313] {strides = array<i32>} : memref<16384xi32, #tpu.memory_space<vmem>>, vector<16xi32>,
        %gather3A_315 = tpu.vector_load_idx %arg6[%get3A_314] : memref<100000xf32, #tpu.memory_space<vmem>>[vector<16xi32>], vector<16xf32>,
        %mul3A_316 = arith.constant 16 : i32
        %mul3A_317 = arith.muli %add3A_308, %mul3A_316 : i32
        %swap3A_318 = arith.constant 0 : i32
        %swap3A_319 = arith.index_cast %swap3A_318 : i32 to index
        %swap3A_320 = arith.index_cast %mul3A_317 : i32 to index
        %swap3A_321 = tpu.vector_load %arg7[%swap3A_319, %swap3A_320] {strides = array<i32>} : memref<2x4096xf32, #tpu.memory_space<vmem>>, vector<16xf32>,
        tpu.vector_store %arg7[%swap3A_319, %swap3A_320], %gather3A_315 {strides = array<i32>} : memref<2x4096xf32, #tpu.memory_space<vmem>>, vector<16xf32>,
        %scan3A_322 = arith.constant 2 : i32
        %scan3A_323 = arith.addi %scan3A_288, %scan3A_322 : i32
        %mul3A_324 = arith.constant 1 : i32
        %mul3A_325 = arith.muli %scan3A_323, %mul3A_324 : i32
        %add3A_326 = arith.constant 0 : i32
        %add3A_327 = arith.addi %add3A_326, %mul3A_325 : i32
        %mul3A_328 = arith.constant 16 : i32
        %mul3A_329 = arith.muli %add3A_327, %mul3A_328 : i32
        %add3A_330 = arith.constant 0 : i32
        %add3A_331 = arith.addi %add3A_330, %mul3A_329 : i32
        %get3A_332 = arith.index_cast %add3A_331 : i32 to index
        %get3A_333 = tpu.vector_load %arg5[%get3A_332] {strides = array<i32>} : memref<16384xi32, #tpu.memory_space<vmem>>, vector<16xi32>,
        %gather3A_334 = tpu.vector_load_idx %arg6[%get3A_333] : memref<100000xf32, #tpu.memory_space<vmem>>[vector<16xi32>], vector<16xf32>,
        %mul3A_335 = arith.constant 16 : i32
        %mul3A_336 = arith.muli %add3A_327, %mul3A_335 : i32
        %swap3A_337 = arith.constant 0 : i32
        %swap3A_338 = arith.index_cast %swap3A_337 : i32 to index
        %swap3A_339 = arith.index_cast %mul3A_336 : i32 to index
        %swap3A_340 = tpu.vector_load %arg7[%swap3A_338, %swap3A_339] {strides = array<i32>} : memref<2x4096xf32, #tpu.memory_space<vmem>>, vector<16xf32>,
        tpu.vector_store %arg7[%swap3A_338, %swap3A_339], %gather3A_334 {strides = array<i32>} : memref<2x4096xf32, #tpu.memory_space<vmem>>, vector<16xf32>,
        %scan3A_341 = arith.constant 3 : i32
        %scan3A_342 = arith.addi %scan3A_288, %scan3A_341 : i32
        %mul3A_343 = arith.constant 1 : i32
        %mul3A_344 = arith.muli %scan3A_342, %mul3A_343 : i32
        %add3A_345 = arith.constant 0 : i32
        %add3A_346 = arith.addi %add3A_345, %mul3A_344 : i32
        %mul3A_347 = arith.constant 16 : i32
        %mul3A_348 = arith.muli %add3A_346, %mul3A_347 : i32
        %add3A_349 = arith.constant 0 : i32
        %add3A_350 = arith.addi %add3A_349, %mul3A_348 : i32
        %get3A_351 = arith.index_cast %add3A_350 : i32 to index
        %get3A_352 = tpu.vector_load %arg5[%get3A_351] {strides = array<i32>} : memref<16384xi32, #tpu.memory_space<vmem>>, vector<16xi32>,
        %gather3A_353 = tpu.vector_load_idx %arg6[%get3A_352] : memref<100000xf32, #tpu.memory_space<vmem>>[vector<16xi32>], vector<16xf32>,
        %mul3A_354 = arith.constant 16 : i32
        %mul3A_355 = arith.muli %add3A_346, %mul3A_354 : i32
        %swap3A_356 = arith.constant 0 : i32
        %swap3A_357 = arith.index_cast %swap3A_356 : i32 to index
        %swap3A_358 = arith.index_cast %mul3A_355 : i32 to index
        %swap3A_359 = tpu.vector_load %arg7[%swap3A_357, %swap3A_358] {strides = array<i32>} : memref<2x4096xf32, #tpu.memory_space<vmem>>, vector<16xf32>,
        tpu.vector_store %arg7[%swap3A_357, %swap3A_358], %gather3A_353 {strides = array<i32>} : memref<2x4096xf32, #tpu.memory_space<vmem>>, vector<16xf32>,
        %scan3A_360 = arith.constant 4 : i32
        %scan3A_361 = arith.addi %scan3A_288, %scan3A_360 : i32
        %mul3A_362 = arith.constant 1 : i32
        %mul3A_363 = arith.muli %scan3A_361, %mul3A_362 : i32
        %add3A_364 = arith.constant 0 : i32
        %add3A_365 = arith.addi %add3A_364, %mul3A_363 : i32
        %mul3A_366 = arith.constant 16 : i32
        %mul3A_367 = arith.muli %add3A_365, %mul3A_366 : i32
        %add3A_368 = arith.constant 0 : i32
        %add3A_369 = arith.addi %add3A_368, %mul3A_367 : i32
        %get3A_370 = arith.index_cast %add3A_369 : i32 to index
        %get3A_371 = tpu.vector_load %arg5[%get3A_370] {strides = array<i32>} : memref<16384xi32, #tpu.memory_space<vmem>>, vector<16xi32>,
        %gather3A_372 = tpu.vector_load_idx %arg6[%get3A_371] : memref<100000xf32, #tpu.memory_space<vmem>>[vector<16xi32>], vector<16xf32>,
        %mul3A_373 = arith.constant 16 : i32
        %mul3A_374 = arith.muli %add3A_365, %mul3A_373 : i32
        %swap3A_375 = arith.constant 0 : i32
        %swap3A_376 = arith.index_cast %swap3A_375 : i32 to index
        %swap3A_377 = arith.index_cast %mul3A_374 : i32 to index
        %swap3A_378 = tpu.vector_load %arg7[%swap3A_376, %swap3A_377] {strides = array<i32>} : memref<2x4096xf32, #tpu.memory_space<vmem>>, vector<16xf32>,
        tpu.vector_store %arg7[%swap3A_376, %swap3A_377], %gather3A_372 {strides = array<i32>} : memref<2x4096xf32, #tpu.memory_space<vmem>>, vector<16xf32>,
        %scan3A_379 = arith.constant 5 : i32
        %scan3A_380 = arith.addi %scan3A_288, %scan3A_379 : i32
        %mul3A_381 = arith.constant 1 : i32
        %mul3A_382 = arith.muli %scan3A_380, %mul3A_381 : i32
        %add3A_383 = arith.constant 0 : i32
        %add3A_384 = arith.addi %add3A_383, %mul3A_382 : i32
        %mul3A_385 = arith.constant 16 : i32
        %mul3A_386 = arith.muli %add3A_384, %mul3A_385 : i32
        %add3A_387 = arith.constant 0 : i32
        %add3A_388 = arith.addi %add3A_387, %mul3A_386 : i32
        %get3A_389 = arith.index_cast %add3A_388 : i32 to index
        %get3A_390 = tpu.vector_load %arg5[%get3A_389] {strides = array<i32>} : memref<16384xi32, #tpu.memory_space<vmem>>, vector<16xi32>,
        %gather3A_391 = tpu.vector_load_idx %arg6[%get3A_390] : memref<100000xf32, #tpu.memory_space<vmem>>[vector<16xi32>], vector<16xf32>,
        %mul3A_392 = arith.constant 16 : i32
        %mul3A_393 = arith.muli %add3A_384, %mul3A_392 : i32
        %swap3A_394 = arith.constant 0 : i32
        %swap3A_395 = arith.index_cast %swap3A_394 : i32 to index
        %swap3A_396 = arith.index_cast %mul3A_393 : i32 to index
        %swap3A_397 = tpu.vector_load %arg7[%swap3A_395, %swap3A_396] {strides = array<i32>} : memref<2x4096xf32, #tpu.memory_space<vmem>>, vector<16xf32>,
        tpu.vector_store %arg7[%swap3A_395, %swap3A_396], %gather3A_391 {strides = array<i32>} : memref<2x4096xf32, #tpu.memory_space<vmem>>, vector<16xf32>,
        %scan3A_398 = arith.constant 6 : i32
        %scan3A_399 = arith.addi %scan3A_288, %scan3A_398 : i32
        %mul3A_400 = arith.constant 1 : i32
        %mul3A_401 = arith.muli %scan3A_399, %mul3A_400 : i32
        %add3A_402 = arith.constant 0 : i32
        %add3A_403 = arith.addi %add3A_402, %mul3A_401 : i32
        %mul3A_404 = arith.constant 16 : i32
        %mul3A_405 = arith.muli %add3A_403, %mul3A_404 : i32
        %add3A_406 = arith.constant 0 : i32
        %add3A_407 = arith.addi %add3A_406, %mul3A_405 : i32
        %get3A_408 = arith.index_cast %add3A_407 : i32 to index
        %get3A_409 = tpu.vector_load %arg5[%get3A_408] {strides = array<i32>} : memref<16384xi32, #tpu.memory_space<vmem>>, vector<16xi32>,
        %gather3A_410 = tpu.vector_load_idx %arg6[%get3A_409] : memref<100000xf32, #tpu.memory_space<vmem>>[vector<16xi32>], vector<16xf32>,
        %mul3A_411 = arith.constant 16 : i32
        %mul3A_412 = arith.muli %add3A_403, %mul3A_411 : i32
        %swap3A_413 = arith.constant 0 : i32
        %swap3A_414 = arith.index_cast %swap3A_413 : i32 to index
        %swap3A_415 = arith.index_cast %mul3A_412 : i32 to index
        %swap3A_416 = tpu.vector_load %arg7[%swap3A_414, %swap3A_415] {strides = array<i32>} : memref<2x4096xf32, #tpu.memory_space<vmem>>, vector<16xf32>,
        tpu.vector_store %arg7[%swap3A_414, %swap3A_415], %gather3A_410 {strides = array<i32>} : memref<2x4096xf32, #tpu.memory_space<vmem>>, vector<16xf32>,
        %scan3A_417 = arith.constant 7 : i32
        %scan3A_418 = arith.addi %scan3A_288, %scan3A_417 : i32
        %mul3A_419 = arith.constant 1 : i32
        %mul3A_420 = arith.muli %scan3A_418, %mul3A_419 : i32
        %add3A_421 = arith.constant 0 : i32
        %add3A_422 = arith.addi %add3A_421, %mul3A_420 : i32
        %mul3A_423 = arith.constant 16 : i32
        %mul3A_424 = arith.muli %add3A_422, %mul3A_423 : i32
        %add3A_425 = arith.constant 0 : i32
        %add3A_426 = arith.addi %add3A_425, %mul3A_424 : i32
        %get3A_427 = arith.index_cast %add3A_426 : i32 to index
        %get3A_428 = tpu.vector_load %arg5[%get3A_427] {strides = array<i32>} : memref<16384xi32, #tpu.memory_space<vmem>>, vector<16xi32>,
        %gather3A_429 = tpu.vector_load_idx %arg6[%get3A_428] : memref<100000xf32, #tpu.memory_space<vmem>>[vector<16xi32>], vector<16xf32>,
        %mul3A_430 = arith.constant 16 : i32
        %mul3A_431 = arith.muli %add3A_422, %mul3A_430 : i32
        %swap3A_432 = arith.constant 0 : i32
        %swap3A_433 = arith.index_cast %swap3A_432 : i32 to index
        %swap3A_434 = arith.index_cast %mul3A_431 : i32 to index
        %swap3A_435 = tpu.vector_load %arg7[%swap3A_433, %swap3A_434] {strides = array<i32>} : memref<2x4096xf32, #tpu.memory_space<vmem>>, vector<16xf32>,
        tpu.vector_store %arg7[%swap3A_433, %swap3A_434], %gather3A_429 {strides = array<i32>} : memref<2x4096xf32, #tpu.memory_space<vmem>>, vector<16xf32>,
      }
      %scan3A_28 = arith.constant 256 : i32
      %dma_start3A_29 = arith.constant 0 : i32
      %dma_start3A_30 = arith.constant 0 : i32
      %dma_start3A_31 = tpu.memref_slice %arg7[%dma_start3A_29, %dma_start3A_30] : memref<2x4096xf32, #tpu.memory_space<vmem>> -> memref<1x4096xf32, #tpu.memory_space<vmem>>
      %dma_start3A_32 = tpu.memref_squeeze %dma_start3A_31 : memref<1x4096xf32, #tpu.memory_space<vmem>> -> memref<4096xf32, #tpu.memory_space<vmem>>
      %dma_start3A_33 = arith.constant 0 : i32
      %dma_start3A_34 = tpu.memref_slice %arg4[%add3A_9, %add3A_13, %dma_start3A_33] : memref<26x64x16384xf32, #tpu.memory_space<hbm>> -> memref<1x1x4096xf32, #tpu.memory_space<hbm>>
      %dma_start3A_35 = tpu.memref_squeeze %dma_start3A_34 : memref<1x1x4096xf32, #tpu.memory_space<hbm>> -> memref<4096xf32, #tpu.memory_space<hbm>>
      %dma_start3A_36 = arith.constant 0 : i32
      %dma_start3A_37 = tpu.memref_slice %arg4[%add3A_9, %add3A_13, %dma_start3A_36] : memref<26x64x16384xf32, #tpu.memory_space<hbm>> -> memref<1x1x4096xf32, #tpu.memory_space<hbm>>
      %dma_start3A_38 = tpu.memref_squeeze %dma_start3A_37 : memref<1x1x4096xf32, #tpu.memory_space<hbm>> -> memref<4096xf32, #tpu.memory_space<hbm>>
      %dma_start3A_39 = arith.constant 0 : i32
      %dma_start3A_40 = tpu.memref_slice %arg7[%dma_start3A_29, %dma_start3A_39] : memref<2x4096xf32, #tpu.memory_space<vmem>> -> memref<1x4096xf32, #tpu.memory_space<vmem>>
      %dma_start3A_41 = tpu.memref_squeeze %dma_start3A_40 : memref<1x4096xf32, #tpu.memory_space<vmem>> -> memref<4096xf32, #tpu.memory_space<vmem>>
      tpu.enqueue_dma source(%dma_start3A_41 : memref<4096xf32, #tpu.memory_space<vmem>>) target(%dma_start3A_38 : memref<4096xf32, #tpu.memory_space<hbm>>) target_semaphore(%arg9 : memref<!tpu.dma_semaphore, #tpu.memory_space<semaphore_mem>>)
      %scan3A_42 = arith.constant 0 : i32
      %scan3A_43 = arith.constant 256 : i32
      %scan3A_44 = arith.addi %scan3A_42, %scan3A_43 : i32
      %scan3A_45 = arith.constant 8 : i32
      scf.for %scan3A_288 = %scan3A_42 to %scan3A_44 step %scan3A_45  : i32 {
        %mul3A_289 = arith.constant 1 : i32
        %mul3A_290 = arith.muli %scan3A_288, %mul3A_289 : i32
        %add3A_291 = arith.constant 0 : i32
        %add3A_292 = arith.addi %add3A_291, %mul3A_290 : i32
        %mul3A_293 = arith.constant 16 : i32
        %mul3A_294 = arith.muli %add3A_292, %mul3A_293 : i32
        %add3A_295 = arith.constant 4096 : i32
        %add3A_296 = arith.addi %add3A_295, %mul3A_294 : i32
        %get3A = arith.index_cast %add3A_296 : i32 to index
        %get3A_297 = tpu.vector_load %arg5[%get3A] {strides = array<i32>} : memref<16384xi32, #tpu.memory_space<vmem>>, vector<16xi32>,
        %gather3A = tpu.vector_load_idx %arg6[%get3A_297] : memref<100000xf32, #tpu.memory_space<vmem>>[vector<16xi32>], vector<16xf32>,
        %mul3A_298 = arith.constant 16 : i32
        %mul3A_299 = arith.muli %add3A_292, %mul3A_298 : i32
        %swap3A = arith.constant 1 : i32
        %swap3A_300 = arith.index_cast %swap3A : i32 to index
        %swap3A_301 = arith.index_cast %mul3A_299 : i32 to index
        %swap3A_302 = tpu.vector_load %arg7[%swap3A_300, %swap3A_301] {strides = array<i32>} : memref<2x4096xf32, #tpu.memory_space<vmem>>, vector<16xf32>,
        tpu.vector_store %arg7[%swap3A_300, %swap3A_301], %gather3A {strides = array<i32>} : memref<2x4096xf32, #tpu.memory_space<vmem>>, vector<16xf32>,
        %scan3A_303 = arith.constant 1 : i32
        %scan3A_304 = arith.addi %scan3A_288, %scan3A_303 : i32
        %mul3A_305 = arith.constant 1 : i32
        %mul3A_306 = arith.muli %scan3A_304, %mul3A_305 : i32
        %add3A_307 = arith.constant 0 : i32
        %add3A_308 = arith.addi %add3A_307, %mul3A_306 : i32
        %mul3A_309 = arith.constant 16 : i32
        %mul3A_310 = arith.muli %add3A_308, %mul3A_309 : i32
        %add3A_311 = arith.constant 4096 : i32
        %add3A_312 = arith.addi %add3A_311, %mul3A_310 : i32
        %get3A_313 = arith.index_cast %add3A_312 : i32 to index
        %get3A_314 = tpu.vector_load %arg5[%get3A_313] {strides = array<i32>} : memref<16384xi32, #tpu.memory_space<vmem>>, vector<16xi32>,
        %gather3A_315 = tpu.vector_load_idx %arg6[%get3A_314] : memref<100000xf32, #tpu.memory_space<vmem>>[vector<16xi32>], vector<16xf32>,
        %mul3A_316 = arith.constant 16 : i32
        %mul3A_317 = arith.muli %add3A_308, %mul3A_316 : i32
        %swap3A_318 = arith.constant 1 : i32
        %swap3A_319 = arith.index_cast %swap3A_318 : i32 to index
        %swap3A_320 = arith.index_cast %mul3A_317 : i32 to index
        %swap3A_321 = tpu.vector_load %arg7[%swap3A_319, %swap3A_320] {strides = array<i32>} : memref<2x4096xf32, #tpu.memory_space<vmem>>, vector<16xf32>,
        tpu.vector_store %arg7[%swap3A_319, %swap3A_320], %gather3A_315 {strides = array<i32>} : memref<2x4096xf32, #tpu.memory_space<vmem>>, vector<16xf32>,
        %scan3A_322 = arith.constant 2 : i32
        %scan3A_323 = arith.addi %scan3A_288, %scan3A_322 : i32
        %mul3A_324 = arith.constant 1 : i32
        %mul3A_325 = arith.muli %scan3A_323, %mul3A_324 : i32
        %add3A_326 = arith.constant 0 : i32
        %add3A_327 = arith.addi %add3A_326, %mul3A_325 : i32
        %mul3A_328 = arith.constant 16 : i32
        %mul3A_329 = arith.muli %add3A_327, %mul3A_328 : i32
        %add3A_330 = arith.constant 4096 : i32
        %add3A_331 = arith.addi %add3A_330, %mul3A_329 : i32
        %get3A_332 = arith.index_cast %add3A_331 : i32 to index
        %get3A_333 = tpu.vector_load %arg5[%get3A_332] {strides = array<i32>} : memref<16384xi32, #tpu.memory_space<vmem>>, vector<16xi32>,
        %gather3A_334 = tpu.vector_load_idx %arg6[%get3A_333] : memref<100000xf32, #tpu.memory_space<vmem>>[vector<16xi32>], vector<16xf32>,
        %mul3A_335 = arith.constant 16 : i32
        %mul3A_336 = arith.muli %add3A_327, %mul3A_335 : i32
        %swap3A_337 = arith.constant 1 : i32
        %swap3A_338 = arith.index_cast %swap3A_337 : i32 to index
        %swap3A_339 = arith.index_cast %mul3A_336 : i32 to index
        %swap3A_340 = tpu.vector_load %arg7[%swap3A_338, %swap3A_339] {strides = array<i32>} : memref<2x4096xf32, #tpu.memory_space<vmem>>, vector<16xf32>,
        tpu.vector_store %arg7[%swap3A_338, %swap3A_339], %gather3A_334 {strides = array<i32>} : memref<2x4096xf32, #tpu.memory_space<vmem>>, vector<16xf32>,
        %scan3A_341 = arith.constant 3 : i32
        %scan3A_342 = arith.addi %scan3A_288, %scan3A_341 : i32
        %mul3A_343 = arith.constant 1 : i32
        %mul3A_344 = arith.muli %scan3A_342, %mul3A_343 : i32
        %add3A_345 = arith.constant 0 : i32
        %add3A_346 = arith.addi %add3A_345, %mul3A_344 : i32
        %mul3A_347 = arith.constant 16 : i32
        %mul3A_348 = arith.muli %add3A_346, %mul3A_347 : i32
        %add3A_349 = arith.constant 4096 : i32
        %add3A_350 = arith.addi %add3A_349, %mul3A_348 : i32
        %get3A_351 = arith.index_cast %add3A_350 : i32 to index
        %get3A_352 = tpu.vector_load %arg5[%get3A_351] {strides = array<i32>} : memref<16384xi32, #tpu.memory_space<vmem>>, vector<16xi32>,
        %gather3A_353 = tpu.vector_load_idx %arg6[%get3A_352] : memref<100000xf32, #tpu.memory_space<vmem>>[vector<16xi32>], vector<16xf32>,
        %mul3A_354 = arith.constant 16 : i32
        %mul3A_355 = arith.muli %add3A_346, %mul3A_354 : i32
        %swap3A_356 = arith.constant 1 : i32
        %swap3A_357 = arith.index_cast %swap3A_356 : i32 to index
        %swap3A_358 = arith.index_cast %mul3A_355 : i32 to index
        %swap3A_359 = tpu.vector_load %arg7[%swap3A_357, %swap3A_358] {strides = array<i32>} : memref<2x4096xf32, #tpu.memory_space<vmem>>, vector<16xf32>,
        tpu.vector_store %arg7[%swap3A_357, %swap3A_358], %gather3A_353 {strides = array<i32>} : memref<2x4096xf32, #tpu.memory_space<vmem>>, vector<16xf32>,
        %scan3A_360 = arith.constant 4 : i32
        %scan3A_361 = arith.addi %scan3A_288, %scan3A_360 : i32
        %mul3A_362 = arith.constant 1 : i32
        %mul3A_363 = arith.muli %scan3A_361, %mul3A_362 : i32
        %add3A_364 = arith.constant 0 : i32
        %add3A_365 = arith.addi %add3A_364, %mul3A_363 : i32
        %mul3A_366 = arith.constant 16 : i32
        %mul3A_367 = arith.muli %add3A_365, %mul3A_366 : i32
        %add3A_368 = arith.constant 4096 : i32
        %add3A_369 = arith.addi %add3A_368, %mul3A_367 : i32
        %get3A_370 = arith.index_cast %add3A_369 : i32 to index
        %get3A_371 = tpu.vector_load %arg5[%get3A_370] {strides = array<i32>} : memref<16384xi32, #tpu.memory_space<vmem>>, vector<16xi32>,
        %gather3A_372 = tpu.vector_load_idx %arg6[%get3A_371] : memref<100000xf32, #tpu.memory_space<vmem>>[vector<16xi32>], vector<16xf32>,
        %mul3A_373 = arith.constant 16 : i32
        %mul3A_374 = arith.muli %add3A_365, %mul3A_373 : i32
        %swap3A_375 = arith.constant 1 : i32
        %swap3A_376 = arith.index_cast %swap3A_375 : i32 to index
        %swap3A_377 = arith.index_cast %mul3A_374 : i32 to index
        %swap3A_378 = tpu.vector_load %arg7[%swap3A_376, %swap3A_377] {strides = array<i32>} : memref<2x4096xf32, #tpu.memory_space<vmem>>, vector<16xf32>,
        tpu.vector_store %arg7[%swap3A_376, %swap3A_377], %gather3A_372 {strides = array<i32>} : memref<2x4096xf32, #tpu.memory_space<vmem>>, vector<16xf32>,
        %scan3A_379 = arith.constant 5 : i32
        %scan3A_380 = arith.addi %scan3A_288, %scan3A_379 : i32
        %mul3A_381 = arith.constant 1 : i32
        %mul3A_382 = arith.muli %scan3A_380, %mul3A_381 : i32
        %add3A_383 = arith.constant 0 : i32
        %add3A_384 = arith.addi %add3A_383, %mul3A_382 : i32
        %mul3A_385 = arith.constant 16 : i32
        %mul3A_386 = arith.muli %add3A_384, %mul3A_385 : i32
        %add3A_387 = arith.constant 4096 : i32
        %add3A_388 = arith.addi %add3A_387, %mul3A_386 : i32
        %get3A_389 = arith.index_cast %add3A_388 : i32 to index
        %get3A_390 = tpu.vector_load %arg5[%get3A_389] {strides = array<i32>} : memref<16384xi32, #tpu.memory_space<vmem>>, vector<16xi32>,
        %gather3A_391 = tpu.vector_load_idx %arg6[%get3A_390] : memref<100000xf32, #tpu.memory_space<vmem>>[vector<16xi32>], vector<16xf32>,
        %mul3A_392 = arith.constant 16 : i32
        %mul3A_393 = arith.muli %add3A_384, %mul3A_392 : i32
        %swap3A_394 = arith.constant 1 : i32
        %swap3A_395 = arith.index_cast %swap3A_394 : i32 to index
        %swap3A_396 = arith.index_cast %mul3A_393 : i32 to index
        %swap3A_397 = tpu.vector_load %arg7[%swap3A_395, %swap3A_396] {strides = array<i32>} : memref<2x4096xf32, #tpu.memory_space<vmem>>, vector<16xf32>,
        tpu.vector_store %arg7[%swap3A_395, %swap3A_396], %gather3A_391 {strides = array<i32>} : memref<2x4096xf32, #tpu.memory_space<vmem>>, vector<16xf32>,
        %scan3A_398 = arith.constant 6 : i32
        %scan3A_399 = arith.addi %scan3A_288, %scan3A_398 : i32
        %mul3A_400 = arith.constant 1 : i32
        %mul3A_401 = arith.muli %scan3A_399, %mul3A_400 : i32
        %add3A_402 = arith.constant 0 : i32
        %add3A_403 = arith.addi %add3A_402, %mul3A_401 : i32
        %mul3A_404 = arith.constant 16 : i32
        %mul3A_405 = arith.muli %add3A_403, %mul3A_404 : i32
        %add3A_406 = arith.constant 4096 : i32
        %add3A_407 = arith.addi %add3A_406, %mul3A_405 : i32
        %get3A_408 = arith.index_cast %add3A_407 : i32 to index
        %get3A_409 = tpu.vector_load %arg5[%get3A_408] {strides = array<i32>} : memref<16384xi32, #tpu.memory_space<vmem>>, vector<16xi32>,
        %gather3A_410 = tpu.vector_load_idx %arg6[%get3A_409] : memref<100000xf32, #tpu.memory_space<vmem>>[vector<16xi32>], vector<16xf32>,
        %mul3A_411 = arith.constant 16 : i32
        %mul3A_412 = arith.muli %add3A_403, %mul3A_411 : i32
        %swap3A_413 = arith.constant 1 : i32
        %swap3A_414 = arith.index_cast %swap3A_413 : i32 to index
        %swap3A_415 = arith.index_cast %mul3A_412 : i32 to index
        %swap3A_416 = tpu.vector_load %arg7[%swap3A_414, %swap3A_415] {strides = array<i32>} : memref<2x4096xf32, #tpu.memory_space<vmem>>, vector<16xf32>,
        tpu.vector_store %arg7[%swap3A_414, %swap3A_415], %gather3A_410 {strides = array<i32>} : memref<2x4096xf32, #tpu.memory_space<vmem>>, vector<16xf32>,
        %scan3A_417 = arith.constant 7 : i32
        %scan3A_418 = arith.addi %scan3A_288, %scan3A_417 : i32
        %mul3A_419 = arith.constant 1 : i32
        %mul3A_420 = arith.muli %scan3A_418, %mul3A_419 : i32
        %add3A_421 = arith.constant 0 : i32
        %add3A_422 = arith.addi %add3A_421, %mul3A_420 : i32
        %mul3A_423 = arith.constant 16 : i32
        %mul3A_424 = arith.muli %add3A_422, %mul3A_423 : i32
        %add3A_425 = arith.constant 4096 : i32
        %add3A_426 = arith.addi %add3A_425, %mul3A_424 : i32
        %get3A_427 = arith.index_cast %add3A_426 : i32 to index
        %get3A_428 = tpu.vector_load %arg5[%get3A_427] {strides = array<i32>} : memref<16384xi32, #tpu.memory_space<vmem>>, vector<16xi32>,
        %gather3A_429 = tpu.vector_load_idx %arg6[%get3A_428] : memref<100000xf32, #tpu.memory_space<vmem>>[vector<16xi32>], vector<16xf32>,
        %mul3A_430 = arith.constant 16 : i32
        %mul3A_431 = arith.muli %add3A_422, %mul3A_430 : i32
        %swap3A_432 = arith.constant 1 : i32
        %swap3A_433 = arith.index_cast %swap3A_432 : i32 to index
        %swap3A_434 = arith.index_cast %mul3A_431 : i32 to index
        %swap3A_435 = tpu.vector_load %arg7[%swap3A_433, %swap3A_434] {strides = array<i32>} : memref<2x4096xf32, #tpu.memory_space<vmem>>, vector<16xf32>,
        tpu.vector_store %arg7[%swap3A_433, %swap3A_434], %gather3A_429 {strides = array<i32>} : memref<2x4096xf32, #tpu.memory_space<vmem>>, vector<16xf32>,
      }
      %scan3A_46 = arith.constant 256 : i32
      %dma_start3A_47 = arith.constant 1 : i32
      %dma_start3A_48 = arith.constant 0 : i32
      %dma_start3A_49 = tpu.memref_slice %arg7[%dma_start3A_47, %dma_start3A_48] : memref<2x4096xf32, #tpu.memory_space<vmem>> -> memref<1x4096xf32, #tpu.memory_space<vmem>>
      %dma_start3A_50 = tpu.memref_squeeze %dma_start3A_49 : memref<1x4096xf32, #tpu.memory_space<vmem>> -> memref<4096xf32, #tpu.memory_space<vmem>>
      %dma_start3A_51 = arith.constant 4096 : i32
      %dma_start3A_52 = tpu.memref_slice %arg4[%add3A_9, %add3A_13, %dma_start3A_51] : memref<26x64x16384xf32, #tpu.memory_space<hbm>> -> memref<1x1x4096xf32, #tpu.memory_space<hbm>>
      %dma_start3A_53 = tpu.memref_squeeze %dma_start3A_52 : memref<1x1x4096xf32, #tpu.memory_space<hbm>> -> memref<4096xf32, #tpu.memory_space<hbm>>
      %dma_start3A_54 = arith.constant 4096 : i32
      %dma_start3A_55 = tpu.memref_slice %arg4[%add3A_9, %add3A_13, %dma_start3A_54] : memref<26x64x16384xf32, #tpu.memory_space<hbm>> -> memref<1x1x4096xf32, #tpu.memory_space<hbm>>
      %dma_start3A_56 = tpu.memref_squeeze %dma_start3A_55 : memref<1x1x4096xf32, #tpu.memory_space<hbm>> -> memref<4096xf32, #tpu.memory_space<hbm>>
      %dma_start3A_57 = arith.constant 0 : i32
      %dma_start3A_58 = tpu.memref_slice %arg7[%dma_start3A_47, %dma_start3A_57] : memref<2x4096xf32, #tpu.memory_space<vmem>> -> memref<1x4096xf32, #tpu.memory_space<vmem>>
      %dma_start3A_59 = tpu.memref_squeeze %dma_start3A_58 : memref<1x4096xf32, #tpu.memory_space<vmem>> -> memref<4096xf32, #tpu.memory_space<vmem>>
      tpu.enqueue_dma source(%dma_start3A_59 : memref<4096xf32, #tpu.memory_space<vmem>>) target(%dma_start3A_56 : memref<4096xf32, #tpu.memory_space<hbm>>) target_semaphore(%arg9 : memref<!tpu.dma_semaphore, #tpu.memory_space<semaphore_mem>>)
      %dma_wait3A_60 = arith.constant 0 : i32
      %dma_wait3A_61 = arith.constant 0 : i32
      %dma_wait3A_62 = tpu.memref_slice %arg7[%dma_wait3A_60, %dma_wait3A_61] : memref<2x4096xf32, #tpu.memory_space<vmem>> -> memref<1x4096xf32, #tpu.memory_space<vmem>>
      %dma_wait3A_63 = tpu.memref_squeeze %dma_wait3A_62 : memref<1x4096xf32, #tpu.memory_space<vmem>> -> memref<4096xf32, #tpu.memory_space<vmem>>
      %dma_wait3A_64 = arith.constant 0 : i32
      %dma_wait3A_65 = tpu.memref_slice %arg4[%add3A_9, %add3A_13, %dma_wait3A_64] : memref<26x64x16384xf32, #tpu.memory_space<hbm>> -> memref<1x1x4096xf32, #tpu.memory_space<hbm>>
      %dma_wait3A_66 = tpu.memref_squeeze %dma_wait3A_65 : memref<1x1x4096xf32, #tpu.memory_space<hbm>> -> memref<4096xf32, #tpu.memory_space<hbm>>
      %dma_wait3A_67 = arith.constant 0 : i32
      %dma_wait3A_68 = tpu.memref_slice %arg4[%add3A_9, %add3A_13, %dma_wait3A_67] : memref<26x64x16384xf32, #tpu.memory_space<hbm>> -> memref<1x1x4096xf32, #tpu.memory_space<hbm>>
      %dma_wait3A_69 = tpu.memref_squeeze %dma_wait3A_68 : memref<1x1x4096xf32, #tpu.memory_space<hbm>> -> memref<4096xf32, #tpu.memory_space<hbm>>
      %dma_wait3A_70 = arith.constant 0 : i32
      %dma_wait3A_71 = tpu.memref_slice %arg7[%dma_wait3A_60, %dma_wait3A_70] : memref<2x4096xf32, #tpu.memory_space<vmem>> -> memref<1x4096xf32, #tpu.memory_space<vmem>>
      %dma_wait3A_72 = tpu.memref_squeeze %dma_wait3A_71 : memref<1x4096xf32, #tpu.memory_space<vmem>> -> memref<4096xf32, #tpu.memory_space<vmem>>
      tpu.wait_dma2 semaphore(%arg9 : memref<!tpu.dma_semaphore, #tpu.memory_space<semaphore_mem>>) src(%dma_wait3A_72 : memref<4096xf32, #tpu.memory_space<vmem>>) dst(%dma_wait3A_69 : memref<4096xf32, #tpu.memory_space<hbm>>)
      %scan3A_73 = arith.constant 0 : i32
      %scan3A_74 = arith.constant 256 : i32
      %scan3A_75 = arith.addi %scan3A_73, %scan3A_74 : i32
      %scan3A_76 = arith.constant 8 : i32
      scf.for %scan3A_288 = %scan3A_73 to %scan3A_75 step %scan3A_76  : i32 {
        %mul3A_289 = arith.constant 1 : i32
        %mul3A_290 = arith.muli %scan3A_288, %mul3A_289 : i32
        %add3A_291 = arith.constant 0 : i32
        %add3A_292 = arith.addi %add3A_291, %mul3A_290 : i32
        %mul3A_293 = arith.constant 16 : i32
        %mul3A_294 = arith.muli %add3A_292, %mul3A_293 : i32
        %add3A_295 = arith.constant 8192 : i32
        %add3A_296 = arith.addi %add3A_295, %mul3A_294 : i32
        %get3A = arith.index_cast %add3A_296 : i32 to index
        %get3A_297 = tpu.vector_load %arg5[%get3A] {strides = array<i32>} : memref<16384xi32, #tpu.memory_space<vmem>>, vector<16xi32>,
        %gather3A = tpu.vector_load_idx %arg6[%get3A_297] : memref<100000xf32, #tpu.memory_space<vmem>>[vector<16xi32>], vector<16xf32>,
        %mul3A_298 = arith.constant 16 : i32
        %mul3A_299 = arith.muli %add3A_292, %mul3A_298 : i32
        %swap3A = arith.constant 0 : i32
        %swap3A_300 = arith.index_cast %swap3A : i32 to index
        %swap3A_301 = arith.index_cast %mul3A_299 : i32 to index
        %swap3A_302 = tpu.vector_load %arg7[%swap3A_300, %swap3A_301] {strides = array<i32>} : memref<2x4096xf32, #tpu.memory_space<vmem>>, vector<16xf32>,
        tpu.vector_store %arg7[%swap3A_300, %swap3A_301], %gather3A {strides = array<i32>} : memref<2x4096xf32, #tpu.memory_space<vmem>>, vector<16xf32>,
        %scan3A_303 = arith.constant 1 : i32
        %scan3A_304 = arith.addi %scan3A_288, %scan3A_303 : i32
        %mul3A_305 = arith.constant 1 : i32
        %mul3A_306 = arith.muli %scan3A_304, %mul3A_305 : i32
        %add3A_307 = arith.constant 0 : i32
        %add3A_308 = arith.addi %add3A_307, %mul3A_306 : i32
        %mul3A_309 = arith.constant 16 : i32
        %mul3A_310 = arith.muli %add3A_308, %mul3A_309 : i32
        %add3A_311 = arith.constant 8192 : i32
        %add3A_312 = arith.addi %add3A_311, %mul3A_310 : i32
        %get3A_313 = arith.index_cast %add3A_312 : i32 to index
        %get3A_314 = tpu.vector_load %arg5[%get3A_313] {strides = array<i32>} : memref<16384xi32, #tpu.memory_space<vmem>>, vector<16xi32>,
        %gather3A_315 = tpu.vector_load_idx %arg6[%get3A_314] : memref<100000xf32, #tpu.memory_space<vmem>>[vector<16xi32>], vector<16xf32>,
        %mul3A_316 = arith.constant 16 : i32
        %mul3A_317 = arith.muli %add3A_308, %mul3A_316 : i32
        %swap3A_318 = arith.constant 0 : i32
        %swap3A_319 = arith.index_cast %swap3A_318 : i32 to index
        %swap3A_320 = arith.index_cast %mul3A_317 : i32 to index
        %swap3A_321 = tpu.vector_load %arg7[%swap3A_319, %swap3A_320] {strides = array<i32>} : memref<2x4096xf32, #tpu.memory_space<vmem>>, vector<16xf32>,
        tpu.vector_store %arg7[%swap3A_319, %swap3A_320], %gather3A_315 {strides = array<i32>} : memref<2x4096xf32, #tpu.memory_space<vmem>>, vector<16xf32>,
        %scan3A_322 = arith.constant 2 : i32
        %scan3A_323 = arith.addi %scan3A_288, %scan3A_322 : i32
        %mul3A_324 = arith.constant 1 : i32
        %mul3A_325 = arith.muli %scan3A_323, %mul3A_324 : i32
        %add3A_326 = arith.constant 0 : i32
        %add3A_327 = arith.addi %add3A_326, %mul3A_325 : i32
        %mul3A_328 = arith.constant 16 : i32
        %mul3A_329 = arith.muli %add3A_327, %mul3A_328 : i32
        %add3A_330 = arith.constant 8192 : i32
        %add3A_331 = arith.addi %add3A_330, %mul3A_329 : i32
        %get3A_332 = arith.index_cast %add3A_331 : i32 to index
        %get3A_333 = tpu.vector_load %arg5[%get3A_332] {strides = array<i32>} : memref<16384xi32, #tpu.memory_space<vmem>>, vector<16xi32>,
        %gather3A_334 = tpu.vector_load_idx %arg6[%get3A_333] : memref<100000xf32, #tpu.memory_space<vmem>>[vector<16xi32>], vector<16xf32>,
        %mul3A_335 = arith.constant 16 : i32
        %mul3A_336 = arith.muli %add3A_327, %mul3A_335 : i32
        %swap3A_337 = arith.constant 0 : i32
        %swap3A_338 = arith.index_cast %swap3A_337 : i32 to index
        %swap3A_339 = arith.index_cast %mul3A_336 : i32 to index
        %swap3A_340 = tpu.vector_load %arg7[%swap3A_338, %swap3A_339] {strides = array<i32>} : memref<2x4096xf32, #tpu.memory_space<vmem>>, vector<16xf32>,
        tpu.vector_store %arg7[%swap3A_338, %swap3A_339], %gather3A_334 {strides = array<i32>} : memref<2x4096xf32, #tpu.memory_space<vmem>>, vector<16xf32>,
        %scan3A_341 = arith.constant 3 : i32
        %scan3A_342 = arith.addi %scan3A_288, %scan3A_341 : i32
        %mul3A_343 = arith.constant 1 : i32
        %mul3A_344 = arith.muli %scan3A_342, %mul3A_343 : i32
        %add3A_345 = arith.constant 0 : i32
        %add3A_346 = arith.addi %add3A_345, %mul3A_344 : i32
        %mul3A_347 = arith.constant 16 : i32
        %mul3A_348 = arith.muli %add3A_346, %mul3A_347 : i32
        %add3A_349 = arith.constant 8192 : i32
        %add3A_350 = arith.addi %add3A_349, %mul3A_348 : i32
        %get3A_351 = arith.index_cast %add3A_350 : i32 to index
        %get3A_352 = tpu.vector_load %arg5[%get3A_351] {strides = array<i32>} : memref<16384xi32, #tpu.memory_space<vmem>>, vector<16xi32>,
        %gather3A_353 = tpu.vector_load_idx %arg6[%get3A_352] : memref<100000xf32, #tpu.memory_space<vmem>>[vector<16xi32>], vector<16xf32>,
        %mul3A_354 = arith.constant 16 : i32
        %mul3A_355 = arith.muli %add3A_346, %mul3A_354 : i32
        %swap3A_356 = arith.constant 0 : i32
        %swap3A_357 = arith.index_cast %swap3A_356 : i32 to index
        %swap3A_358 = arith.index_cast %mul3A_355 : i32 to index
        %swap3A_359 = tpu.vector_load %arg7[%swap3A_357, %swap3A_358] {strides = array<i32>} : memref<2x4096xf32, #tpu.memory_space<vmem>>, vector<16xf32>,
        tpu.vector_store %arg7[%swap3A_357, %swap3A_358], %gather3A_353 {strides = array<i32>} : memref<2x4096xf32, #tpu.memory_space<vmem>>, vector<16xf32>,
        %scan3A_360 = arith.constant 4 : i32
        %scan3A_361 = arith.addi %scan3A_288, %scan3A_360 : i32
        %mul3A_362 = arith.constant 1 : i32
        %mul3A_363 = arith.muli %scan3A_361, %mul3A_362 : i32
        %add3A_364 = arith.constant 0 : i32
        %add3A_365 = arith.addi %add3A_364, %mul3A_363 : i32
        %mul3A_366 = arith.constant 16 : i32
        %mul3A_367 = arith.muli %add3A_365, %mul3A_366 : i32
        %add3A_368 = arith.constant 8192 : i32
        %add3A_369 = arith.addi %add3A_368, %mul3A_367 : i32
        %get3A_370 = arith.index_cast %add3A_369 : i32 to index
        %get3A_371 = tpu.vector_load %arg5[%get3A_370] {strides = array<i32>} : memref<16384xi32, #tpu.memory_space<vmem>>, vector<16xi32>,
        %gather3A_372 = tpu.vector_load_idx %arg6[%get3A_371] : memref<100000xf32, #tpu.memory_space<vmem>>[vector<16xi32>], vector<16xf32>,
        %mul3A_373 = arith.constant 16 : i32
        %mul3A_374 = arith.muli %add3A_365, %mul3A_373 : i32
        %swap3A_375 = arith.constant 0 : i32
        %swap3A_376 = arith.index_cast %swap3A_375 : i32 to index
        %swap3A_377 = arith.index_cast %mul3A_374 : i32 to index
        %swap3A_378 = tpu.vector_load %arg7[%swap3A_376, %swap3A_377] {strides = array<i32>} : memref<2x4096xf32, #tpu.memory_space<vmem>>, vector<16xf32>,
        tpu.vector_store %arg7[%swap3A_376, %swap3A_377], %gather3A_372 {strides = array<i32>} : memref<2x4096xf32, #tpu.memory_space<vmem>>, vector<16xf32>,
        %scan3A_379 = arith.constant 5 : i32
        %scan3A_380 = arith.addi %scan3A_288, %scan3A_379 : i32
        %mul3A_381 = arith.constant 1 : i32
        %mul3A_382 = arith.muli %scan3A_380, %mul3A_381 : i32
        %add3A_383 = arith.constant 0 : i32
        %add3A_384 = arith.addi %add3A_383, %mul3A_382 : i32
        %mul3A_385 = arith.constant 16 : i32
        %mul3A_386 = arith.muli %add3A_384, %mul3A_385 : i32
        %add3A_387 = arith.constant 8192 : i32
        %add3A_388 = arith.addi %add3A_387, %mul3A_386 : i32
        %get3A_389 = arith.index_cast %add3A_388 : i32 to index
        %get3A_390 = tpu.vector_load %arg5[%get3A_389] {strides = array<i32>} : memref<16384xi32, #tpu.memory_space<vmem>>, vector<16xi32>,
        %gather3A_391 = tpu.vector_load_idx %arg6[%get3A_390] : memref<100000xf32, #tpu.memory_space<vmem>>[vector<16xi32>], vector<16xf32>,
        %mul3A_392 = arith.constant 16 : i32
        %mul3A_393 = arith.muli %add3A_384, %mul3A_392 : i32
        %swap3A_394 = arith.constant 0 : i32
        %swap3A_395 = arith.index_cast %swap3A_394 : i32 to index
        %swap3A_396 = arith.index_cast %mul3A_393 : i32 to index
        %swap3A_397 = tpu.vector_load %arg7[%swap3A_395, %swap3A_396] {strides = array<i32>} : memref<2x4096xf32, #tpu.memory_space<vmem>>, vector<16xf32>,
        tpu.vector_store %arg7[%swap3A_395, %swap3A_396], %gather3A_391 {strides = array<i32>} : memref<2x4096xf32, #tpu.memory_space<vmem>>, vector<16xf32>,
        %scan3A_398 = arith.constant 6 : i32
        %scan3A_399 = arith.addi %scan3A_288, %scan3A_398 : i32
        %mul3A_400 = arith.constant 1 : i32
        %mul3A_401 = arith.muli %scan3A_399, %mul3A_400 : i32
        %add3A_402 = arith.constant 0 : i32
        %add3A_403 = arith.addi %add3A_402, %mul3A_401 : i32
        %mul3A_404 = arith.constant 16 : i32
        %mul3A_405 = arith.muli %add3A_403, %mul3A_404 : i32
        %add3A_406 = arith.constant 8192 : i32
        %add3A_407 = arith.addi %add3A_406, %mul3A_405 : i32
        %get3A_408 = arith.index_cast %add3A_407 : i32 to index
        %get3A_409 = tpu.vector_load %arg5[%get3A_408] {strides = array<i32>} : memref<16384xi32, #tpu.memory_space<vmem>>, vector<16xi32>,
        %gather3A_410 = tpu.vector_load_idx %arg6[%get3A_409] : memref<100000xf32, #tpu.memory_space<vmem>>[vector<16xi32>], vector<16xf32>,
        %mul3A_411 = arith.constant 16 : i32
        %mul3A_412 = arith.muli %add3A_403, %mul3A_411 : i32
        %swap3A_413 = arith.constant 0 : i32
        %swap3A_414 = arith.index_cast %swap3A_413 : i32 to index
        %swap3A_415 = arith.index_cast %mul3A_412 : i32 to index
        %swap3A_416 = tpu.vector_load %arg7[%swap3A_414, %swap3A_415] {strides = array<i32>} : memref<2x4096xf32, #tpu.memory_space<vmem>>, vector<16xf32>,
        tpu.vector_store %arg7[%swap3A_414, %swap3A_415], %gather3A_410 {strides = array<i32>} : memref<2x4096xf32, #tpu.memory_space<vmem>>, vector<16xf32>,
        %scan3A_417 = arith.constant 7 : i32
        %scan3A_418 = arith.addi %scan3A_288, %scan3A_417 : i32
        %mul3A_419 = arith.constant 1 : i32
        %mul3A_420 = arith.muli %scan3A_418, %mul3A_419 : i32
        %add3A_421 = arith.constant 0 : i32
        %add3A_422 = arith.addi %add3A_421, %mul3A_420 : i32
        %mul3A_423 = arith.constant 16 : i32
        %mul3A_424 = arith.muli %add3A_422, %mul3A_423 : i32
        %add3A_425 = arith.constant 8192 : i32
        %add3A_426 = arith.addi %add3A_425, %mul3A_424 : i32
        %get3A_427 = arith.index_cast %add3A_426 : i32 to index
        %get3A_428 = tpu.vector_load %arg5[%get3A_427] {strides = array<i32>} : memref<16384xi32, #tpu.memory_space<vmem>>, vector<16xi32>,
        %gather3A_429 = tpu.vector_load_idx %arg6[%get3A_428] : memref<100000xf32, #tpu.memory_space<vmem>>[vector<16xi32>], vector<16xf32>,
        %mul3A_430 = arith.constant 16 : i32
        %mul3A_431 = arith.muli %add3A_422, %mul3A_430 : i32
        %swap3A_432 = arith.constant 0 : i32
        %swap3A_433 = arith.index_cast %swap3A_432 : i32 to index
        %swap3A_434 = arith.index_cast %mul3A_431 : i32 to index
        %swap3A_435 = tpu.vector_load %arg7[%swap3A_433, %swap3A_434] {strides = array<i32>} : memref<2x4096xf32, #tpu.memory_space<vmem>>, vector<16xf32>,
        tpu.vector_store %arg7[%swap3A_433, %swap3A_434], %gather3A_429 {strides = array<i32>} : memref<2x4096xf32, #tpu.memory_space<vmem>>, vector<16xf32>,
      }
      %scan3A_77 = arith.constant 256 : i32
      %dma_start3A_78 = arith.constant 0 : i32
      %dma_start3A_79 = arith.constant 0 : i32
      %dma_start3A_80 = tpu.memref_slice %arg7[%dma_start3A_78, %dma_start3A_79] : memref<2x4096xf32, #tpu.memory_space<vmem>> -> memref<1x4096xf32, #tpu.memory_space<vmem>>
      %dma_start3A_81 = tpu.memref_squeeze %dma_start3A_80 : memref<1x4096xf32, #tpu.memory_space<vmem>> -> memref<4096xf32, #tpu.memory_space<vmem>>
      %dma_start3A_82 = arith.constant 8192 : i32
      %dma_start3A_83 = tpu.memref_slice %arg4[%add3A_9, %add3A_13, %dma_start3A_82] : memref<26x64x16384xf32, #tpu.memory_space<hbm>> -> memref<1x1x4096xf32, #tpu.memory_space<hbm>>
      %dma_start3A_84 = tpu.memref_squeeze %dma_start3A_83 : memref<1x1x4096xf32, #tpu.memory_space<hbm>> -> memref<4096xf32, #tpu.memory_space<hbm>>
      %dma_start3A_85 = arith.constant 8192 : i32
      %dma_start3A_86 = tpu.memref_slice %arg4[%add3A_9, %add3A_13, %dma_start3A_85] : memref<26x64x16384xf32, #tpu.memory_space<hbm>> -> memref<1x1x4096xf32, #tpu.memory_space<hbm>>
      %dma_start3A_87 = tpu.memref_squeeze %dma_start3A_86 : memref<1x1x4096xf32, #tpu.memory_space<hbm>> -> memref<4096xf32, #tpu.memory_space<hbm>>
      %dma_start3A_88 = arith.constant 0 : i32
      %dma_start3A_89 = tpu.memref_slice %arg7[%dma_start3A_78, %dma_start3A_88] : memref<2x4096xf32, #tpu.memory_space<vmem>> -> memref<1x4096xf32, #tpu.memory_space<vmem>>
      %dma_start3A_90 = tpu.memref_squeeze %dma_start3A_89 : memref<1x4096xf32, #tpu.memory_space<vmem>> -> memref<4096xf32, #tpu.memory_space<vmem>>
      tpu.enqueue_dma source(%dma_start3A_90 : memref<4096xf32, #tpu.memory_space<vmem>>) target(%dma_start3A_87 : memref<4096xf32, #tpu.memory_space<hbm>>) target_semaphore(%arg9 : memref<!tpu.dma_semaphore, #tpu.memory_space<semaphore_mem>>)
      %dma_wait3A_91 = arith.constant 1 : i32
      %dma_wait3A_92 = arith.constant 0 : i32
      %dma_wait3A_93 = tpu.memref_slice %arg7[%dma_wait3A_91, %dma_wait3A_92] : memref<2x4096xf32, #tpu.memory_space<vmem>> -> memref<1x4096xf32, #tpu.memory_space<vmem>>
      %dma_wait3A_94 = tpu.memref_squeeze %dma_wait3A_93 : memref<1x4096xf32, #tpu.memory_space<vmem>> -> memref<4096xf32, #tpu.memory_space<vmem>>
      %dma_wait3A_95 = arith.constant 4096 : i32
      %dma_wait3A_96 = tpu.memref_slice %arg4[%add3A_9, %add3A_13, %dma_wait3A_95] : memref<26x64x16384xf32, #tpu.memory_space<hbm>> -> memref<1x1x4096xf32, #tpu.memory_space<hbm>>
      %dma_wait3A_97 = tpu.memref_squeeze %dma_wait3A_96 : memref<1x1x4096xf32, #tpu.memory_space<hbm>> -> memref<4096xf32, #tpu.memory_space<hbm>>
      %dma_wait3A_98 = arith.constant 4096 : i32
      %dma_wait3A_99 = tpu.memref_slice %arg4[%add3A_9, %add3A_13, %dma_wait3A_98] : memref<26x64x16384xf32, #tpu.memory_space<hbm>> -> memref<1x1x4096xf32, #tpu.memory_space<hbm>>
      %dma_wait3A_100 = tpu.memref_squeeze %dma_wait3A_99 : memref<1x1x4096xf32, #tpu.memory_space<hbm>> -> memref<4096xf32, #tpu.memory_space<hbm>>
      %dma_wait3A_101 = arith.constant 0 : i32
      %dma_wait3A_102 = tpu.memref_slice %arg7[%dma_wait3A_91, %dma_wait3A_101] : memref<2x4096xf32, #tpu.memory_space<vmem>> -> memref<1x4096xf32, #tpu.memory_space<vmem>>
      %dma_wait3A_103 = tpu.memref_squeeze %dma_wait3A_102 : memref<1x4096xf32, #tpu.memory_space<vmem>> -> memref<4096xf32, #tpu.memory_space<vmem>>
      tpu.wait_dma2 semaphore(%arg9 : memref<!tpu.dma_semaphore, #tpu.memory_space<semaphore_mem>>) src(%dma_wait3A_103 : memref<4096xf32, #tpu.memory_space<vmem>>) dst(%dma_wait3A_100 : memref<4096xf32, #tpu.memory_space<hbm>>)
      %scan3A_104 = arith.constant 0 : i32
      %scan3A_105 = arith.constant 256 : i32
      %scan3A_106 = arith.addi %scan3A_104, %scan3A_105 : i32
      %scan3A_107 = arith.constant 8 : i32
      scf.for %scan3A_288 = %scan3A_104 to %scan3A_106 step %scan3A_107  : i32 {
        %mul3A_289 = arith.constant 1 : i32
        %mul3A_290 = arith.muli %scan3A_288, %mul3A_289 : i32
        %add3A_291 = arith.constant 0 : i32
        %add3A_292 = arith.addi %add3A_291, %mul3A_290 : i32
        %mul3A_293 = arith.constant 16 : i32
        %mul3A_294 = arith.muli %add3A_292, %mul3A_293 : i32
        %add3A_295 = arith.constant 12288 : i32
        %add3A_296 = arith.addi %add3A_295, %mul3A_294 : i32
        %get3A = arith.index_cast %add3A_296 : i32 to index
        %get3A_297 = tpu.vector_load %arg5[%get3A] {strides = array<i32>} : memref<16384xi32, #tpu.memory_space<vmem>>, vector<16xi32>,
        %gather3A = tpu.vector_load_idx %arg6[%get3A_297] : memref<100000xf32, #tpu.memory_space<vmem>>[vector<16xi32>], vector<16xf32>,
        %mul3A_298 = arith.constant 16 : i32
        %mul3A_299 = arith.muli %add3A_292, %mul3A_298 : i32
        %swap3A = arith.constant 1 : i32
        %swap3A_300 = arith.index_cast %swap3A : i32 to index
        %swap3A_301 = arith.index_cast %mul3A_299 : i32 to index
        %swap3A_302 = tpu.vector_load %arg7[%swap3A_300, %swap3A_301] {strides = array<i32>} : memref<2x4096xf32, #tpu.memory_space<vmem>>, vector<16xf32>,
        tpu.vector_store %arg7[%swap3A_300, %swap3A_301], %gather3A {strides = array<i32>} : memref<2x4096xf32, #tpu.memory_space<vmem>>, vector<16xf32>,
        %scan3A_303 = arith.constant 1 : i32
        %scan3A_304 = arith.addi %scan3A_288, %scan3A_303 : i32
        %mul3A_305 = arith.constant 1 : i32
        %mul3A_306 = arith.muli %scan3A_304, %mul3A_305 : i32
        %add3A_307 = arith.constant 0 : i32
        %add3A_308 = arith.addi %add3A_307, %mul3A_306 : i32
        %mul3A_309 = arith.constant 16 : i32
        %mul3A_310 = arith.muli %add3A_308, %mul3A_309 : i32
        %add3A_311 = arith.constant 12288 : i32
        %add3A_312 = arith.addi %add3A_311, %mul3A_310 : i32
        %get3A_313 = arith.index_cast %add3A_312 : i32 to index
        %get3A_314 = tpu.vector_load %arg5[%get3A_313] {strides = array<i32>} : memref<16384xi32, #tpu.memory_space<vmem>>, vector<16xi32>,
        %gather3A_315 = tpu.vector_load_idx %arg6[%get3A_314] : memref<100000xf32, #tpu.memory_space<vmem>>[vector<16xi32>], vector<16xf32>,
        %mul3A_316 = arith.constant 16 : i32
        %mul3A_317 = arith.muli %add3A_308, %mul3A_316 : i32
        %swap3A_318 = arith.constant 1 : i32
        %swap3A_319 = arith.index_cast %swap3A_318 : i32 to index
        %swap3A_320 = arith.index_cast %mul3A_317 : i32 to index
        %swap3A_321 = tpu.vector_load %arg7[%swap3A_319, %swap3A_320] {strides = array<i32>} : memref<2x4096xf32, #tpu.memory_space<vmem>>, vector<16xf32>,
        tpu.vector_store %arg7[%swap3A_319, %swap3A_320], %gather3A_315 {strides = array<i32>} : memref<2x4096xf32, #tpu.memory_space<vmem>>, vector<16xf32>,
        %scan3A_322 = arith.constant 2 : i32
        %scan3A_323 = arith.addi %scan3A_288, %scan3A_322 : i32
        %mul3A_324 = arith.constant 1 : i32
        %mul3A_325 = arith.muli %scan3A_323, %mul3A_324 : i32
        %add3A_326 = arith.constant 0 : i32
        %add3A_327 = arith.addi %add3A_326, %mul3A_325 : i32
        %mul3A_328 = arith.constant 16 : i32
        %mul3A_329 = arith.muli %add3A_327, %mul3A_328 : i32
        %add3A_330 = arith.constant 12288 : i32
        %add3A_331 = arith.addi %add3A_330, %mul3A_329 : i32
        %get3A_332 = arith.index_cast %add3A_331 : i32 to index
        %get3A_333 = tpu.vector_load %arg5[%get3A_332] {strides = array<i32>} : memref<16384xi32, #tpu.memory_space<vmem>>, vector<16xi32>,
        %gather3A_334 = tpu.vector_load_idx %arg6[%get3A_333] : memref<100000xf32, #tpu.memory_space<vmem>>[vector<16xi32>], vector<16xf32>,
        %mul3A_335 = arith.constant 16 : i32
        %mul3A_336 = arith.muli %add3A_327, %mul3A_335 : i32
        %swap3A_337 = arith.constant 1 : i32
        %swap3A_338 = arith.index_cast %swap3A_337 : i32 to index
        %swap3A_339 = arith.index_cast %mul3A_336 : i32 to index
        %swap3A_340 = tpu.vector_load %arg7[%swap3A_338, %swap3A_339] {strides = array<i32>} : memref<2x4096xf32, #tpu.memory_space<vmem>>, vector<16xf32>,
        tpu.vector_store %arg7[%swap3A_338, %swap3A_339], %gather3A_334 {strides = array<i32>} : memref<2x4096xf32, #tpu.memory_space<vmem>>, vector<16xf32>,
        %scan3A_341 = arith.constant 3 : i32
        %scan3A_342 = arith.addi %scan3A_288, %scan3A_341 : i32
        %mul3A_343 = arith.constant 1 : i32
        %mul3A_344 = arith.muli %scan3A_342, %mul3A_343 : i32
        %add3A_345 = arith.constant 0 : i32
        %add3A_346 = arith.addi %add3A_345, %mul3A_344 : i32
        %mul3A_347 = arith.constant 16 : i32
        %mul3A_348 = arith.muli %add3A_346, %mul3A_347 : i32
        %add3A_349 = arith.constant 12288 : i32
        %add3A_350 = arith.addi %add3A_349, %mul3A_348 : i32
        %get3A_351 = arith.index_cast %add3A_350 : i32 to index
        %get3A_352 = tpu.vector_load %arg5[%get3A_351] {strides = array<i32>} : memref<16384xi32, #tpu.memory_space<vmem>>, vector<16xi32>,
        %gather3A_353 = tpu.vector_load_idx %arg6[%get3A_352] : memref<100000xf32, #tpu.memory_space<vmem>>[vector<16xi32>], vector<16xf32>,
        %mul3A_354 = arith.constant 16 : i32
        %mul3A_355 = arith.muli %add3A_346, %mul3A_354 : i32
        %swap3A_356 = arith.constant 1 : i32
        %swap3A_357 = arith.index_cast %swap3A_356 : i32 to index
        %swap3A_358 = arith.index_cast %mul3A_355 : i32 to index
        %swap3A_359 = tpu.vector_load %arg7[%swap3A_357, %swap3A_358] {strides = array<i32>} : memref<2x4096xf32, #tpu.memory_space<vmem>>, vector<16xf32>,
        tpu.vector_store %arg7[%swap3A_357, %swap3A_358], %gather3A_353 {strides = array<i32>} : memref<2x4096xf32, #tpu.memory_space<vmem>>, vector<16xf32>,
        %scan3A_360 = arith.constant 4 : i32
        %scan3A_361 = arith.addi %scan3A_288, %scan3A_360 : i32
        %mul3A_362 = arith.constant 1 : i32
        %mul3A_363 = arith.muli %scan3A_361, %mul3A_362 : i32
        %add3A_364 = arith.constant 0 : i32
        %add3A_365 = arith.addi %add3A_364, %mul3A_363 : i32
        %mul3A_366 = arith.constant 16 : i32
        %mul3A_367 = arith.muli %add3A_365, %mul3A_366 : i32
        %add3A_368 = arith.constant 12288 : i32
        %add3A_369 = arith.addi %add3A_368, %mul3A_367 : i32
        %get3A_370 = arith.index_cast %add3A_369 : i32 to index
        %get3A_371 = tpu.vector_load %arg5[%get3A_370] {strides = array<i32>} : memref<16384xi32, #tpu.memory_space<vmem>>, vector<16xi32>,
        %gather3A_372 = tpu.vector_load_idx %arg6[%get3A_371] : memref<100000xf32, #tpu.memory_space<vmem>>[vector<16xi32>], vector<16xf32>,
        %mul3A_373 = arith.constant 16 : i32
        %mul3A_374 = arith.muli %add3A_365, %mul3A_373 : i32
        %swap3A_375 = arith.constant 1 : i32
        %swap3A_376 = arith.index_cast %swap3A_375 : i32 to index
        %swap3A_377 = arith.index_cast %mul3A_374 : i32 to index
        %swap3A_378 = tpu.vector_load %arg7[%swap3A_376, %swap3A_377] {strides = array<i32>} : memref<2x4096xf32, #tpu.memory_space<vmem>>, vector<16xf32>,
        tpu.vector_store %arg7[%swap3A_376, %swap3A_377], %gather3A_372 {strides = array<i32>} : memref<2x4096xf32, #tpu.memory_space<vmem>>, vector<16xf32>,
        %scan3A_379 = arith.constant 5 : i32
        %scan3A_380 = arith.addi %scan3A_288, %scan3A_379 : i32
        %mul3A_381 = arith.constant 1 : i32
        %mul3A_382 = arith.muli %scan3A_380, %mul3A_381 : i32
        %add3A_383 = arith.constant 0 : i32
        %add3A_384 = arith.addi %add3A_383, %mul3A_382 : i32
        %mul3A_385 = arith.constant 16 : i32
        %mul3A_386 = arith.muli %add3A_384, %mul3A_385 : i32
        %add3A_387 = arith.constant 12288 : i32
        %add3A_388 = arith.addi %add3A_387, %mul3A_386 : i32
        %get3A_389 = arith.index_cast %add3A_388 : i32 to index
        %get3A_390 = tpu.vector_load %arg5[%get3A_389] {strides = array<i32>} : memref<16384xi32, #tpu.memory_space<vmem>>, vector<16xi32>,
        %gather3A_391 = tpu.vector_load_idx %arg6[%get3A_390] : memref<100000xf32, #tpu.memory_space<vmem>>[vector<16xi32>], vector<16xf32>,
        %mul3A_392 = arith.constant 16 : i32
        %mul3A_393 = arith.muli %add3A_384, %mul3A_392 : i32
        %swap3A_394 = arith.constant 1 : i32
        %swap3A_395 = arith.index_cast %swap3A_394 : i32 to index
        %swap3A_396 = arith.index_cast %mul3A_393 : i32 to index
        %swap3A_397 = tpu.vector_load %arg7[%swap3A_395, %swap3A_396] {strides = array<i32>} : memref<2x4096xf32, #tpu.memory_space<vmem>>, vector<16xf32>,
        tpu.vector_store %arg7[%swap3A_395, %swap3A_396], %gather3A_391 {strides = array<i32>} : memref<2x4096xf32, #tpu.memory_space<vmem>>, vector<16xf32>,
        %scan3A_398 = arith.constant 6 : i32
        %scan3A_399 = arith.addi %scan3A_288, %scan3A_398 : i32
        %mul3A_400 = arith.constant 1 : i32
        %mul3A_401 = arith.muli %scan3A_399, %mul3A_400 : i32
        %add3A_402 = arith.constant 0 : i32
        %add3A_403 = arith.addi %add3A_402, %mul3A_401 : i32
        %mul3A_404 = arith.constant 16 : i32
        %mul3A_405 = arith.muli %add3A_403, %mul3A_404 : i32
        %add3A_406 = arith.constant 12288 : i32
        %add3A_407 = arith.addi %add3A_406, %mul3A_405 : i32
        %get3A_408 = arith.index_cast %add3A_407 : i32 to index
        %get3A_409 = tpu.vector_load %arg5[%get3A_408] {strides = array<i32>} : memref<16384xi32, #tpu.memory_space<vmem>>, vector<16xi32>,
        %gather3A_410 = tpu.vector_load_idx %arg6[%get3A_409] : memref<100000xf32, #tpu.memory_space<vmem>>[vector<16xi32>], vector<16xf32>,
        %mul3A_411 = arith.constant 16 : i32
        %mul3A_412 = arith.muli %add3A_403, %mul3A_411 : i32
        %swap3A_413 = arith.constant 1 : i32
        %swap3A_414 = arith.index_cast %swap3A_413 : i32 to index
        %swap3A_415 = arith.index_cast %mul3A_412 : i32 to index
        %swap3A_416 = tpu.vector_load %arg7[%swap3A_414, %swap3A_415] {strides = array<i32>} : memref<2x4096xf32, #tpu.memory_space<vmem>>, vector<16xf32>,
        tpu.vector_store %arg7[%swap3A_414, %swap3A_415], %gather3A_410 {strides = array<i32>} : memref<2x4096xf32, #tpu.memory_space<vmem>>, vector<16xf32>,
        %scan3A_417 = arith.constant 7 : i32
        %scan3A_418 = arith.addi %scan3A_288, %scan3A_417 : i32
        %mul3A_419 = arith.constant 1 : i32
        %mul3A_420 = arith.muli %scan3A_418, %mul3A_419 : i32
        %add3A_421 = arith.constant 0 : i32
        %add3A_422 = arith.addi %add3A_421, %mul3A_420 : i32
        %mul3A_423 = arith.constant 16 : i32
        %mul3A_424 = arith.muli %add3A_422, %mul3A_423 : i32
        %add3A_425 = arith.constant 12288 : i32
        %add3A_426 = arith.addi %add3A_425, %mul3A_424 : i32
        %get3A_427 = arith.index_cast %add3A_426 : i32 to index
        %get3A_428 = tpu.vector_load %arg5[%get3A_427] {strides = array<i32>} : memref<16384xi32, #tpu.memory_space<vmem>>, vector<16xi32>,
        %gather3A_429 = tpu.vector_load_idx %arg6[%get3A_428] : memref<100000xf32, #tpu.memory_space<vmem>>[vector<16xi32>], vector<16xf32>,
        %mul3A_430 = arith.constant 16 : i32
        %mul3A_431 = arith.muli %add3A_422, %mul3A_430 : i32
        %swap3A_432 = arith.constant 1 : i32
        %swap3A_433 = arith.index_cast %swap3A_432 : i32 to index
        %swap3A_434 = arith.index_cast %mul3A_431 : i32 to index
        %swap3A_435 = tpu.vector_load %arg7[%swap3A_433, %swap3A_434] {strides = array<i32>} : memref<2x4096xf32, #tpu.memory_space<vmem>>, vector<16xf32>,
        tpu.vector_store %arg7[%swap3A_433, %swap3A_434], %gather3A_429 {strides = array<i32>} : memref<2x4096xf32, #tpu.memory_space<vmem>>, vector<16xf32>,
      }
      %scan3A_108 = arith.constant 256 : i32
      %dma_start3A_109 = arith.constant 1 : i32
      %dma_start3A_110 = arith.constant 0 : i32
      %dma_start3A_111 = tpu.memref_slice %arg7[%dma_start3A_109, %dma_start3A_110] : memref<2x4096xf32, #tpu.memory_space<vmem>> -> memref<1x4096xf32, #tpu.memory_space<vmem>>
      %dma_start3A_112 = tpu.memref_squeeze %dma_start3A_111 : memref<1x4096xf32, #tpu.memory_space<vmem>> -> memref<4096xf32, #tpu.memory_space<vmem>>
      %dma_start3A_113 = arith.constant 12288 : i32
      %dma_start3A_114 = tpu.memref_slice %arg4[%add3A_9, %add3A_13, %dma_start3A_113] : memref<26x64x16384xf32, #tpu.memory_space<hbm>> -> memref<1x1x4096xf32, #tpu.memory_space<hbm>>
      %dma_start3A_115 = tpu.memref_squeeze %dma_start3A_114 : memref<1x1x4096xf32, #tpu.memory_space<hbm>> -> memref<4096xf32, #tpu.memory_space<hbm>>
      %dma_start3A_116 = arith.constant 12288 : i32
      %dma_start3A_117 = tpu.memref_slice %arg4[%add3A_9, %add3A_13, %dma_start3A_116] : memref<26x64x16384xf32, #tpu.memory_space<hbm>> -> memref<1x1x4096xf32, #tpu.memory_space<hbm>>
      %dma_start3A_118 = tpu.memref_squeeze %dma_start3A_117 : memref<1x1x4096xf32, #tpu.memory_space<hbm>> -> memref<4096xf32, #tpu.memory_space<hbm>>
      %dma_start3A_119 = arith.constant 0 : i32
      %dma_start3A_120 = tpu.memref_slice %arg7[%dma_start3A_109, %dma_start3A_119] : memref<2x4096xf32, #tpu.memory_space<vmem>> -> memref<1x4096xf32, #tpu.memory_space<vmem>>
      %dma_start3A_121 = tpu.memref_squeeze %dma_start3A_120 : memref<1x4096xf32, #tpu.memory_space<vmem>> -> memref<4096xf32, #tpu.memory_space<vmem>>
      tpu.enqueue_dma source(%dma_start3A_121 : memref<4096xf32, #tpu.memory_space<vmem>>) target(%dma_start3A_118 : memref<4096xf32, #tpu.memory_space<hbm>>) target_semaphore(%arg9 : memref<!tpu.dma_semaphore, #tpu.memory_space<semaphore_mem>>)
      %dma_wait3A_122 = arith.constant 0 : i32
      %dma_wait3A_123 = arith.constant 0 : i32
      %dma_wait3A_124 = tpu.memref_slice %arg7[%dma_wait3A_122, %dma_wait3A_123] : memref<2x4096xf32, #tpu.memory_space<vmem>> -> memref<1x4096xf32, #tpu.memory_space<vmem>>
      %dma_wait3A_125 = tpu.memref_squeeze %dma_wait3A_124 : memref<1x4096xf32, #tpu.memory_space<vmem>> -> memref<4096xf32, #tpu.memory_space<vmem>>
      %dma_wait3A_126 = arith.constant 8192 : i32
      %dma_wait3A_127 = tpu.memref_slice %arg4[%add3A_9, %add3A_13, %dma_wait3A_126] : memref<26x64x16384xf32, #tpu.memory_space<hbm>> -> memref<1x1x4096xf32, #tpu.memory_space<hbm>>
      %dma_wait3A_128 = tpu.memref_squeeze %dma_wait3A_127 : memref<1x1x4096xf32, #tpu.memory_space<hbm>> -> memref<4096xf32, #tpu.memory_space<hbm>>
      %dma_wait3A_129 = arith.constant 8192 : i32
      %dma_wait3A_130 = tpu.memref_slice %arg4[%add3A_9, %add3A_13, %dma_wait3A_129] : memref<26x64x16384xf32, #tpu.memory_space<hbm>> -> memref<1x1x4096xf32, #tpu.memory_space<hbm>>
      %dma_wait3A_131 = tpu.memref_squeeze %dma_wait3A_130 : memref<1x1x4096xf32, #tpu.memory_space<hbm>> -> memref<4096xf32, #tpu.memory_space<hbm>>
      %dma_wait3A_132 = arith.constant 0 : i32
      %dma_wait3A_133 = tpu.memref_slice %arg7[%dma_wait3A_122, %dma_wait3A_132] : memref<2x4096xf32, #tpu.memory_space<vmem>> -> memref<1x4096xf32, #tpu.memory_space<vmem>>
      %dma_wait3A_134 = tpu.memref_squeeze %dma_wait3A_133 : memref<1x4096xf32, #tpu.memory_space<vmem>> -> memref<4096xf32, #tpu.memory_space<vmem>>
      tpu.wait_dma2 semaphore(%arg9 : memref<!tpu.dma_semaphore, #tpu.memory_space<semaphore_mem>>) src(%dma_wait3A_134 : memref<4096xf32, #tpu.memory_space<vmem>>) dst(%dma_wait3A_131 : memref<4096xf32, #tpu.memory_space<hbm>>)
      %dma_wait3A_135 = arith.constant 1 : i32
      %dma_wait3A_136 = arith.constant 0 : i32
      %dma_wait3A_137 = tpu.memref_slice %arg7[%dma_wait3A_135, %dma_wait3A_136] : memref<2x4096xf32, #tpu.memory_space<vmem>> -> memref<1x4096xf32, #tpu.memory_space<vmem>>
      %dma_wait3A_138 = tpu.memref_squeeze %dma_wait3A_137 : memref<1x4096xf32, #tpu.memory_space<vmem>> -> memref<4096xf32, #tpu.memory_space<vmem>>
      %dma_wait3A_139 = arith.constant 12288 : i32
      %dma_wait3A_140 = tpu.memref_slice %arg4[%add3A_9, %add3A_13, %dma_wait3A_139] : memref<26x64x16384xf32, #tpu.memory_space<hbm>> -> memref<1x1x4096xf32, #tpu.memory_space<hbm>>
      %dma_wait3A_141 = tpu.memref_squeeze %dma_wait3A_140 : memref<1x1x4096xf32, #tpu.memory_space<hbm>> -> memref<4096xf32, #tpu.memory_space<hbm>>
      %dma_wait3A_142 = arith.constant 12288 : i32
      %dma_wait3A_143 = tpu.memref_slice %arg4[%add3A_9, %add3A_13, %dma_wait3A_142] : memref<26x64x16384xf32, #tpu.memory_space<hbm>> -> memref<1x1x4096xf32, #tpu.memory_space<hbm>>
      %dma_wait3A_144 = tpu.memref_squeeze %dma_wait3A_143 : memref<1x1x4096xf32, #tpu.memory_space<hbm>> -> memref<4096xf32, #tpu.memory_space<hbm>>
      %dma_wait3A_145 = arith.constant 0 : i32
      %dma_wait3A_146 = tpu.memref_slice %arg7[%dma_wait3A_135, %dma_wait3A_145] : memref<2x4096xf32, #tpu.memory_space<vmem>> -> memref<1x4096xf32, #tpu.memory_space<vmem>>
      %dma_wait3A_147 = tpu.memref_squeeze %dma_wait3A_146 : memref<1x4096xf32, #tpu.memory_space<vmem>> -> memref<4096xf32, #tpu.memory_space<vmem>>
      tpu.wait_dma2 semaphore(%arg9 : memref<!tpu.dma_semaphore, #tpu.memory_space<semaphore_mem>>) src(%dma_wait3A_147 : memref<4096xf32, #tpu.memory_space<vmem>>) dst(%dma_wait3A_144 : memref<4096xf32, #tpu.memory_space<hbm>>)
      %mul3A_148 = arith.constant 2 : i32
      %mul3A_149 = arith.muli %add3A, %mul3A_148 : i32
      %add3A_150 = arith.constant 1 : i32
      %add3A_151 = arith.addi %mul3A_149, %add3A_150 : i32
      %dma_start3A_152 = arith.constant 0 : i32
      %dma_start3A_153 = tpu.memref_slice %arg3[%add3A_9, %add3A_151, %dma_start3A_152] : memref<26x64x100000xf32, #tpu.memory_space<hbm>> -> memref<1x1x100000xf32, #tpu.memory_space<hbm>>
      %dma_start3A_154 = tpu.memref_squeeze %dma_start3A_153 : memref<1x1x100000xf32, #tpu.memory_space<hbm>> -> memref<100000xf32, #tpu.memory_space<hbm>>
      %dma_start3A_155 = arith.constant 0 : i32
      %dma_start3A_156 = tpu.memref_slice %arg3[%add3A_9, %add3A_151, %dma_start3A_155] : memref<26x64x100000xf32, #tpu.memory_space<hbm>> -> memref<1x1x100000xf32, #tpu.memory_space<hbm>>
      %dma_start3A_157 = tpu.memref_squeeze %dma_start3A_156 : memref<1x1x100000xf32, #tpu.memory_space<hbm>> -> memref<100000xf32, #tpu.memory_space<hbm>>
      tpu.enqueue_dma source(%dma_start3A_157 : memref<100000xf32, #tpu.memory_space<hbm>>) target(%arg6 : memref<100000xf32, #tpu.memory_space<vmem>>) target_semaphore(%arg8 : memref<!tpu.dma_semaphore, #tpu.memory_space<semaphore_mem>>)
      %dma_wait3A_158 = arith.constant 0 : i32
      %dma_wait3A_159 = tpu.memref_slice %arg3[%add3A_9, %add3A_151, %dma_wait3A_158] : memref<26x64x100000xf32, #tpu.memory_space<hbm>> -> memref<1x1x100000xf32, #tpu.memory_space<hbm>>
      %dma_wait3A_160 = tpu.memref_squeeze %dma_wait3A_159 : memref<1x1x100000xf32, #tpu.memory_space<hbm>> -> memref<100000xf32, #tpu.memory_space<hbm>>
      %dma_wait3A_161 = arith.constant 0 : i32
      %dma_wait3A_162 = tpu.memref_slice %arg3[%add3A_9, %add3A_151, %dma_wait3A_161] : memref<26x64x100000xf32, #tpu.memory_space<hbm>> -> memref<1x1x100000xf32, #tpu.memory_space<hbm>>
      %dma_wait3A_163 = tpu.memref_squeeze %dma_wait3A_162 : memref<1x1x100000xf32, #tpu.memory_space<hbm>> -> memref<100000xf32, #tpu.memory_space<hbm>>
      tpu.wait_dma2 semaphore(%arg8 : memref<!tpu.dma_semaphore, #tpu.memory_space<semaphore_mem>>) src(%dma_wait3A_163 : memref<100000xf32, #tpu.memory_space<hbm>>) dst(%arg6 : memref<100000xf32, #tpu.memory_space<vmem>>)
      %scan3A_164 = arith.constant 0 : i32
      %scan3A_165 = arith.constant 256 : i32
      %scan3A_166 = arith.addi %scan3A_164, %scan3A_165 : i32
      %scan3A_167 = arith.constant 8 : i32
      scf.for %scan3A_288 = %scan3A_164 to %scan3A_166 step %scan3A_167  : i32 {
        %mul3A_289 = arith.constant 1 : i32
        %mul3A_290 = arith.muli %scan3A_288, %mul3A_289 : i32
        %add3A_291 = arith.constant 0 : i32
        %add3A_292 = arith.addi %add3A_291, %mul3A_290 : i32
        %mul3A_293 = arith.constant 16 : i32
        %mul3A_294 = arith.muli %add3A_292, %mul3A_293 : i32
        %add3A_295 = arith.constant 0 : i32
        %add3A_296 = arith.addi %add3A_295, %mul3A_294 : i32
        %get3A = arith.index_cast %add3A_296 : i32 to index
        %get3A_297 = tpu.vector_load %arg5[%get3A] {strides = array<i32>} : memref<16384xi32, #tpu.memory_space<vmem>>, vector<16xi32>,
        %gather3A = tpu.vector_load_idx %arg6[%get3A_297] : memref<100000xf32, #tpu.memory_space<vmem>>[vector<16xi32>], vector<16xf32>,
        %mul3A_298 = arith.constant 16 : i32
        %mul3A_299 = arith.muli %add3A_292, %mul3A_298 : i32
        %swap3A = arith.constant 0 : i32
        %swap3A_300 = arith.index_cast %swap3A : i32 to index
        %swap3A_301 = arith.index_cast %mul3A_299 : i32 to index
        %swap3A_302 = tpu.vector_load %arg7[%swap3A_300, %swap3A_301] {strides = array<i32>} : memref<2x4096xf32, #tpu.memory_space<vmem>>, vector<16xf32>,
        tpu.vector_store %arg7[%swap3A_300, %swap3A_301], %gather3A {strides = array<i32>} : memref<2x4096xf32, #tpu.memory_space<vmem>>, vector<16xf32>,
        %scan3A_303 = arith.constant 1 : i32
        %scan3A_304 = arith.addi %scan3A_288, %scan3A_303 : i32
        %mul3A_305 = arith.constant 1 : i32
        %mul3A_306 = arith.muli %scan3A_304, %mul3A_305 : i32
        %add3A_307 = arith.constant 0 : i32
        %add3A_308 = arith.addi %add3A_307, %mul3A_306 : i32
        %mul3A_309 = arith.constant 16 : i32
        %mul3A_310 = arith.muli %add3A_308, %mul3A_309 : i32
        %add3A_311 = arith.constant 0 : i32
        %add3A_312 = arith.addi %add3A_311, %mul3A_310 : i32
        %get3A_313 = arith.index_cast %add3A_312 : i32 to index
        %get3A_314 = tpu.vector_load %arg5[%get3A_313] {strides = array<i32>} : memref<16384xi32, #tpu.memory_space<vmem>>, vector<16xi32>,
        %gather3A_315 = tpu.vector_load_idx %arg6[%get3A_314] : memref<100000xf32, #tpu.memory_space<vmem>>[vector<16xi32>], vector<16xf32>,
        %mul3A_316 = arith.constant 16 : i32
        %mul3A_317 = arith.muli %add3A_308, %mul3A_316 : i32
        %swap3A_318 = arith.constant 0 : i32
        %swap3A_319 = arith.index_cast %swap3A_318 : i32 to index
        %swap3A_320 = arith.index_cast %mul3A_317 : i32 to index
        %swap3A_321 = tpu.vector_load %arg7[%swap3A_319, %swap3A_320] {strides = array<i32>} : memref<2x4096xf32, #tpu.memory_space<vmem>>, vector<16xf32>,
        tpu.vector_store %arg7[%swap3A_319, %swap3A_320], %gather3A_315 {strides = array<i32>} : memref<2x4096xf32, #tpu.memory_space<vmem>>, vector<16xf32>,
        %scan3A_322 = arith.constant 2 : i32
        %scan3A_323 = arith.addi %scan3A_288, %scan3A_322 : i32
        %mul3A_324 = arith.constant 1 : i32
        %mul3A_325 = arith.muli %scan3A_323, %mul3A_324 : i32
        %add3A_326 = arith.constant 0 : i32
        %add3A_327 = arith.addi %add3A_326, %mul3A_325 : i32
        %mul3A_328 = arith.constant 16 : i32
        %mul3A_329 = arith.muli %add3A_327, %mul3A_328 : i32
        %add3A_330 = arith.constant 0 : i32
        %add3A_331 = arith.addi %add3A_330, %mul3A_329 : i32
        %get3A_332 = arith.index_cast %add3A_331 : i32 to index
        %get3A_333 = tpu.vector_load %arg5[%get3A_332] {strides = array<i32>} : memref<16384xi32, #tpu.memory_space<vmem>>, vector<16xi32>,
        %gather3A_334 = tpu.vector_load_idx %arg6[%get3A_333] : memref<100000xf32, #tpu.memory_space<vmem>>[vector<16xi32>], vector<16xf32>,
        %mul3A_335 = arith.constant 16 : i32
        %mul3A_336 = arith.muli %add3A_327, %mul3A_335 : i32
        %swap3A_337 = arith.constant 0 : i32
        %swap3A_338 = arith.index_cast %swap3A_337 : i32 to index
        %swap3A_339 = arith.index_cast %mul3A_336 : i32 to index
        %swap3A_340 = tpu.vector_load %arg7[%swap3A_338, %swap3A_339] {strides = array<i32>} : memref<2x4096xf32, #tpu.memory_space<vmem>>, vector<16xf32>,
        tpu.vector_store %arg7[%swap3A_338, %swap3A_339], %gather3A_334 {strides = array<i32>} : memref<2x4096xf32, #tpu.memory_space<vmem>>, vector<16xf32>,
        %scan3A_341 = arith.constant 3 : i32
        %scan3A_342 = arith.addi %scan3A_288, %scan3A_341 : i32
        %mul3A_343 = arith.constant 1 : i32
        %mul3A_344 = arith.muli %scan3A_342, %mul3A_343 : i32
        %add3A_345 = arith.constant 0 : i32
        %add3A_346 = arith.addi %add3A_345, %mul3A_344 : i32
        %mul3A_347 = arith.constant 16 : i32
        %mul3A_348 = arith.muli %add3A_346, %mul3A_347 : i32
        %add3A_349 = arith.constant 0 : i32
        %add3A_350 = arith.addi %add3A_349, %mul3A_348 : i32
        %get3A_351 = arith.index_cast %add3A_350 : i32 to index
        %get3A_352 = tpu.vector_load %arg5[%get3A_351] {strides = array<i32>} : memref<16384xi32, #tpu.memory_space<vmem>>, vector<16xi32>,
        %gather3A_353 = tpu.vector_load_idx %arg6[%get3A_352] : memref<100000xf32, #tpu.memory_space<vmem>>[vector<16xi32>], vector<16xf32>,
        %mul3A_354 = arith.constant 16 : i32
        %mul3A_355 = arith.muli %add3A_346, %mul3A_354 : i32
        %swap3A_356 = arith.constant 0 : i32
        %swap3A_357 = arith.index_cast %swap3A_356 : i32 to index
        %swap3A_358 = arith.index_cast %mul3A_355 : i32 to index
        %swap3A_359 = tpu.vector_load %arg7[%swap3A_357, %swap3A_358] {strides = array<i32>} : memref<2x4096xf32, #tpu.memory_space<vmem>>, vector<16xf32>,
        tpu.vector_store %arg7[%swap3A_357, %swap3A_358], %gather3A_353 {strides = array<i32>} : memref<2x4096xf32, #tpu.memory_space<vmem>>, vector<16xf32>,
        %scan3A_360 = arith.constant 4 : i32
        %scan3A_361 = arith.addi %scan3A_288, %scan3A_360 : i32
        %mul3A_362 = arith.constant 1 : i32
        %mul3A_363 = arith.muli %scan3A_361, %mul3A_362 : i32
        %add3A_364 = arith.constant 0 : i32
        %add3A_365 = arith.addi %add3A_364, %mul3A_363 : i32
        %mul3A_366 = arith.constant 16 : i32
        %mul3A_367 = arith.muli %add3A_365, %mul3A_366 : i32
        %add3A_368 = arith.constant 0 : i32
        %add3A_369 = arith.addi %add3A_368, %mul3A_367 : i32
        %get3A_370 = arith.index_cast %add3A_369 : i32 to index
        %get3A_371 = tpu.vector_load %arg5[%get3A_370] {strides = array<i32>} : memref<16384xi32, #tpu.memory_space<vmem>>, vector<16xi32>,
        %gather3A_372 = tpu.vector_load_idx %arg6[%get3A_371] : memref<100000xf32, #tpu.memory_space<vmem>>[vector<16xi32>], vector<16xf32>,
        %mul3A_373 = arith.constant 16 : i32
        %mul3A_374 = arith.muli %add3A_365, %mul3A_373 : i32
        %swap3A_375 = arith.constant 0 : i32
        %swap3A_376 = arith.index_cast %swap3A_375 : i32 to index
        %swap3A_377 = arith.index_cast %mul3A_374 : i32 to index
        %swap3A_378 = tpu.vector_load %arg7[%swap3A_376, %swap3A_377] {strides = array<i32>} : memref<2x4096xf32, #tpu.memory_space<vmem>>, vector<16xf32>,
        tpu.vector_store %arg7[%swap3A_376, %swap3A_377], %gather3A_372 {strides = array<i32>} : memref<2x4096xf32, #tpu.memory_space<vmem>>, vector<16xf32>,
        %scan3A_379 = arith.constant 5 : i32
        %scan3A_380 = arith.addi %scan3A_288, %scan3A_379 : i32
        %mul3A_381 = arith.constant 1 : i32
        %mul3A_382 = arith.muli %scan3A_380, %mul3A_381 : i32
        %add3A_383 = arith.constant 0 : i32
        %add3A_384 = arith.addi %add3A_383, %mul3A_382 : i32
        %mul3A_385 = arith.constant 16 : i32
        %mul3A_386 = arith.muli %add3A_384, %mul3A_385 : i32
        %add3A_387 = arith.constant 0 : i32
        %add3A_388 = arith.addi %add3A_387, %mul3A_386 : i32
        %get3A_389 = arith.index_cast %add3A_388 : i32 to index
        %get3A_390 = tpu.vector_load %arg5[%get3A_389] {strides = array<i32>} : memref<16384xi32, #tpu.memory_space<vmem>>, vector<16xi32>,
        %gather3A_391 = tpu.vector_load_idx %arg6[%get3A_390] : memref<100000xf32, #tpu.memory_space<vmem>>[vector<16xi32>], vector<16xf32>,
        %mul3A_392 = arith.constant 16 : i32
        %mul3A_393 = arith.muli %add3A_384, %mul3A_392 : i32
        %swap3A_394 = arith.constant 0 : i32
        %swap3A_395 = arith.index_cast %swap3A_394 : i32 to index
        %swap3A_396 = arith.index_cast %mul3A_393 : i32 to index
        %swap3A_397 = tpu.vector_load %arg7[%swap3A_395, %swap3A_396] {strides = array<i32>} : memref<2x4096xf32, #tpu.memory_space<vmem>>, vector<16xf32>,
        tpu.vector_store %arg7[%swap3A_395, %swap3A_396], %gather3A_391 {strides = array<i32>} : memref<2x4096xf32, #tpu.memory_space<vmem>>, vector<16xf32>,
        %scan3A_398 = arith.constant 6 : i32
        %scan3A_399 = arith.addi %scan3A_288, %scan3A_398 : i32
        %mul3A_400 = arith.constant 1 : i32
        %mul3A_401 = arith.muli %scan3A_399, %mul3A_400 : i32
        %add3A_402 = arith.constant 0 : i32
        %add3A_403 = arith.addi %add3A_402, %mul3A_401 : i32
        %mul3A_404 = arith.constant 16 : i32
        %mul3A_405 = arith.muli %add3A_403, %mul3A_404 : i32
        %add3A_406 = arith.constant 0 : i32
        %add3A_407 = arith.addi %add3A_406, %mul3A_405 : i32
        %get3A_408 = arith.index_cast %add3A_407 : i32 to index
        %get3A_409 = tpu.vector_load %arg5[%get3A_408] {strides = array<i32>} : memref<16384xi32, #tpu.memory_space<vmem>>, vector<16xi32>,
        %gather3A_410 = tpu.vector_load_idx %arg6[%get3A_409] : memref<100000xf32, #tpu.memory_space<vmem>>[vector<16xi32>], vector<16xf32>,
        %mul3A_411 = arith.constant 16 : i32
        %mul3A_412 = arith.muli %add3A_403, %mul3A_411 : i32
        %swap3A_413 = arith.constant 0 : i32
        %swap3A_414 = arith.index_cast %swap3A_413 : i32 to index
        %swap3A_415 = arith.index_cast %mul3A_412 : i32 to index
        %swap3A_416 = tpu.vector_load %arg7[%swap3A_414, %swap3A_415] {strides = array<i32>} : memref<2x4096xf32, #tpu.memory_space<vmem>>, vector<16xf32>,
        tpu.vector_store %arg7[%swap3A_414, %swap3A_415], %gather3A_410 {strides = array<i32>} : memref<2x4096xf32, #tpu.memory_space<vmem>>, vector<16xf32>,
        %scan3A_417 = arith.constant 7 : i32
        %scan3A_418 = arith.addi %scan3A_288, %scan3A_417 : i32
        %mul3A_419 = arith.constant 1 : i32
        %mul3A_420 = arith.muli %scan3A_418, %mul3A_419 : i32
        %add3A_421 = arith.constant 0 : i32
        %add3A_422 = arith.addi %add3A_421, %mul3A_420 : i32
        %mul3A_423 = arith.constant 16 : i32
        %mul3A_424 = arith.muli %add3A_422, %mul3A_423 : i32
        %add3A_425 = arith.constant 0 : i32
        %add3A_426 = arith.addi %add3A_425, %mul3A_424 : i32
        %get3A_427 = arith.index_cast %add3A_426 : i32 to index
        %get3A_428 = tpu.vector_load %arg5[%get3A_427] {strides = array<i32>} : memref<16384xi32, #tpu.memory_space<vmem>>, vector<16xi32>,
        %gather3A_429 = tpu.vector_load_idx %arg6[%get3A_428] : memref<100000xf32, #tpu.memory_space<vmem>>[vector<16xi32>], vector<16xf32>,
        %mul3A_430 = arith.constant 16 : i32
        %mul3A_431 = arith.muli %add3A_422, %mul3A_430 : i32
        %swap3A_432 = arith.constant 0 : i32
        %swap3A_433 = arith.index_cast %swap3A_432 : i32 to index
        %swap3A_434 = arith.index_cast %mul3A_431 : i32 to index
        %swap3A_435 = tpu.vector_load %arg7[%swap3A_433, %swap3A_434] {strides = array<i32>} : memref<2x4096xf32, #tpu.memory_space<vmem>>, vector<16xf32>,
        tpu.vector_store %arg7[%swap3A_433, %swap3A_434], %gather3A_429 {strides = array<i32>} : memref<2x4096xf32, #tpu.memory_space<vmem>>, vector<16xf32>,
      }
      %scan3A_168 = arith.constant 256 : i32
      %dma_start3A_169 = arith.constant 0 : i32
      %dma_start3A_170 = arith.constant 0 : i32
      %dma_start3A_171 = tpu.memref_slice %arg7[%dma_start3A_169, %dma_start3A_170] : memref<2x4096xf32, #tpu.memory_space<vmem>> -> memref<1x4096xf32, #tpu.memory_space<vmem>>
      %dma_start3A_172 = tpu.memref_squeeze %dma_start3A_171 : memref<1x4096xf32, #tpu.memory_space<vmem>> -> memref<4096xf32, #tpu.memory_space<vmem>>
      %dma_start3A_173 = arith.constant 0 : i32
      %dma_start3A_174 = tpu.memref_slice %arg4[%add3A_9, %add3A_151, %dma_start3A_173] : memref<26x64x16384xf32, #tpu.memory_space<hbm>> -> memref<1x1x4096xf32, #tpu.memory_space<hbm>>
      %dma_start3A_175 = tpu.memref_squeeze %dma_start3A_174 : memref<1x1x4096xf32, #tpu.memory_space<hbm>> -> memref<4096xf32, #tpu.memory_space<hbm>>
      %dma_start3A_176 = arith.constant 0 : i32
      %dma_start3A_177 = tpu.memref_slice %arg4[%add3A_9, %add3A_151, %dma_start3A_176] : memref<26x64x16384xf32, #tpu.memory_space<hbm>> -> memref<1x1x4096xf32, #tpu.memory_space<hbm>>
      %dma_start3A_178 = tpu.memref_squeeze %dma_start3A_177 : memref<1x1x4096xf32, #tpu.memory_space<hbm>> -> memref<4096xf32, #tpu.memory_space<hbm>>
      %dma_start3A_179 = arith.constant 0 : i32
      %dma_start3A_180 = tpu.memref_slice %arg7[%dma_start3A_169, %dma_start3A_179] : memref<2x4096xf32, #tpu.memory_space<vmem>> -> memref<1x4096xf32, #tpu.memory_space<vmem>>
      %dma_start3A_181 = tpu.memref_squeeze %dma_start3A_180 : memref<1x4096xf32, #tpu.memory_space<vmem>> -> memref<4096xf32, #tpu.memory_space<vmem>>
      tpu.enqueue_dma source(%dma_start3A_181 : memref<4096xf32, #tpu.memory_space<vmem>>) target(%dma_start3A_178 : memref<4096xf32, #tpu.memory_space<hbm>>) target_semaphore(%arg9 : memref<!tpu.dma_semaphore, #tpu.memory_space<semaphore_mem>>)
      %scan3A_182 = arith.constant 0 : i32
      %scan3A_183 = arith.constant 256 : i32
      %scan3A_184 = arith.addi %scan3A_182, %scan3A_183 : i32
      %scan3A_185 = arith.constant 8 : i32
      scf.for %scan3A_288 = %scan3A_182 to %scan3A_184 step %scan3A_185  : i32 {
        %mul3A_289 = arith.constant 1 : i32
        %mul3A_290 = arith.muli %scan3A_288, %mul3A_289 : i32
        %add3A_291 = arith.constant 0 : i32
        %add3A_292 = arith.addi %add3A_291, %mul3A_290 : i32
        %mul3A_293 = arith.constant 16 : i32
        %mul3A_294 = arith.muli %add3A_292, %mul3A_293 : i32
        %add3A_295 = arith.constant 4096 : i32
        %add3A_296 = arith.addi %add3A_295, %mul3A_294 : i32
        %get3A = arith.index_cast %add3A_296 : i32 to index
        %get3A_297 = tpu.vector_load %arg5[%get3A] {strides = array<i32>} : memref<16384xi32, #tpu.memory_space<vmem>>, vector<16xi32>,
        %gather3A = tpu.vector_load_idx %arg6[%get3A_297] : memref<100000xf32, #tpu.memory_space<vmem>>[vector<16xi32>], vector<16xf32>,
        %mul3A_298 = arith.constant 16 : i32
        %mul3A_299 = arith.muli %add3A_292, %mul3A_298 : i32
        %swap3A = arith.constant 1 : i32
        %swap3A_300 = arith.index_cast %swap3A : i32 to index
        %swap3A_301 = arith.index_cast %mul3A_299 : i32 to index
        %swap3A_302 = tpu.vector_load %arg7[%swap3A_300, %swap3A_301] {strides = array<i32>} : memref<2x4096xf32, #tpu.memory_space<vmem>>, vector<16xf32>,
        tpu.vector_store %arg7[%swap3A_300, %swap3A_301], %gather3A {strides = array<i32>} : memref<2x4096xf32, #tpu.memory_space<vmem>>, vector<16xf32>,
        %scan3A_303 = arith.constant 1 : i32
        %scan3A_304 = arith.addi %scan3A_288, %scan3A_303 : i32
        %mul3A_305 = arith.constant 1 : i32
        %mul3A_306 = arith.muli %scan3A_304, %mul3A_305 : i32
        %add3A_307 = arith.constant 0 : i32
        %add3A_308 = arith.addi %add3A_307, %mul3A_306 : i32
        %mul3A_309 = arith.constant 16 : i32
        %mul3A_310 = arith.muli %add3A_308, %mul3A_309 : i32
        %add3A_311 = arith.constant 4096 : i32
        %add3A_312 = arith.addi %add3A_311, %mul3A_310 : i32
        %get3A_313 = arith.index_cast %add3A_312 : i32 to index
        %get3A_314 = tpu.vector_load %arg5[%get3A_313] {strides = array<i32>} : memref<16384xi32, #tpu.memory_space<vmem>>, vector<16xi32>,
        %gather3A_315 = tpu.vector_load_idx %arg6[%get3A_314] : memref<100000xf32, #tpu.memory_space<vmem>>[vector<16xi32>], vector<16xf32>,
        %mul3A_316 = arith.constant 16 : i32
        %mul3A_317 = arith.muli %add3A_308, %mul3A_316 : i32
        %swap3A_318 = arith.constant 1 : i32
        %swap3A_319 = arith.index_cast %swap3A_318 : i32 to index
        %swap3A_320 = arith.index_cast %mul3A_317 : i32 to index
        %swap3A_321 = tpu.vector_load %arg7[%swap3A_319, %swap3A_320] {strides = array<i32>} : memref<2x4096xf32, #tpu.memory_space<vmem>>, vector<16xf32>,
        tpu.vector_store %arg7[%swap3A_319, %swap3A_320], %gather3A_315 {strides = array<i32>} : memref<2x4096xf32, #tpu.memory_space<vmem>>, vector<16xf32>,
        %scan3A_322 = arith.constant 2 : i32
        %scan3A_323 = arith.addi %scan3A_288, %scan3A_322 : i32
        %mul3A_324 = arith.constant 1 : i32
        %mul3A_325 = arith.muli %scan3A_323, %mul3A_324 : i32
        %add3A_326 = arith.constant 0 : i32
        %add3A_327 = arith.addi %add3A_326, %mul3A_325 : i32
        %mul3A_328 = arith.constant 16 : i32
        %mul3A_329 = arith.muli %add3A_327, %mul3A_328 : i32
        %add3A_330 = arith.constant 4096 : i32
        %add3A_331 = arith.addi %add3A_330, %mul3A_329 : i32
        %get3A_332 = arith.index_cast %add3A_331 : i32 to index
        %get3A_333 = tpu.vector_load %arg5[%get3A_332] {strides = array<i32>} : memref<16384xi32, #tpu.memory_space<vmem>>, vector<16xi32>,
        %gather3A_334 = tpu.vector_load_idx %arg6[%get3A_333] : memref<100000xf32, #tpu.memory_space<vmem>>[vector<16xi32>], vector<16xf32>,
        %mul3A_335 = arith.constant 16 : i32
        %mul3A_336 = arith.muli %add3A_327, %mul3A_335 : i32
        %swap3A_337 = arith.constant 1 : i32
        %swap3A_338 = arith.index_cast %swap3A_337 : i32 to index
        %swap3A_339 = arith.index_cast %mul3A_336 : i32 to index
        %swap3A_340 = tpu.vector_load %arg7[%swap3A_338, %swap3A_339] {strides = array<i32>} : memref<2x4096xf32, #tpu.memory_space<vmem>>, vector<16xf32>,
        tpu.vector_store %arg7[%swap3A_338, %swap3A_339], %gather3A_334 {strides = array<i32>} : memref<2x4096xf32, #tpu.memory_space<vmem>>, vector<16xf32>,
        %scan3A_341 = arith.constant 3 : i32
        %scan3A_342 = arith.addi %scan3A_288, %scan3A_341 : i32
        %mul3A_343 = arith.constant 1 : i32
        %mul3A_344 = arith.muli %scan3A_342, %mul3A_343 : i32
        %add3A_345 = arith.constant 0 : i32
        %add3A_346 = arith.addi %add3A_345, %mul3A_344 : i32
        %mul3A_347 = arith.constant 16 : i32
        %mul3A_348 = arith.muli %add3A_346, %mul3A_347 : i32
        %add3A_349 = arith.constant 4096 : i32
        %add3A_350 = arith.addi %add3A_349, %mul3A_348 : i32
        %get3A_351 = arith.index_cast %add3A_350 : i32 to index
        %get3A_352 = tpu.vector_load %arg5[%get3A_351] {strides = array<i32>} : memref<16384xi32, #tpu.memory_space<vmem>>, vector<16xi32>,
        %gather3A_353 = tpu.vector_load_idx %arg6[%get3A_352] : memref<100000xf32, #tpu.memory_space<vmem>>[vector<16xi32>], vector<16xf32>,
        %mul3A_354 = arith.constant 16 : i32
        %mul3A_355 = arith.muli %add3A_346, %mul3A_354 : i32
        %swap3A_356 = arith.constant 1 : i32
        %swap3A_357 = arith.index_cast %swap3A_356 : i32 to index
        %swap3A_358 = arith.index_cast %mul3A_355 : i32 to index
        %swap3A_359 = tpu.vector_load %arg7[%swap3A_357, %swap3A_358] {strides = array<i32>} : memref<2x4096xf32, #tpu.memory_space<vmem>>, vector<16xf32>,
        tpu.vector_store %arg7[%swap3A_357, %swap3A_358], %gather3A_353 {strides = array<i32>} : memref<2x4096xf32, #tpu.memory_space<vmem>>, vector<16xf32>,
        %scan3A_360 = arith.constant 4 : i32
        %scan3A_361 = arith.addi %scan3A_288, %scan3A_360 : i32
        %mul3A_362 = arith.constant 1 : i32
        %mul3A_363 = arith.muli %scan3A_361, %mul3A_362 : i32
        %add3A_364 = arith.constant 0 : i32
        %add3A_365 = arith.addi %add3A_364, %mul3A_363 : i32
        %mul3A_366 = arith.constant 16 : i32
        %mul3A_367 = arith.muli %add3A_365, %mul3A_366 : i32
        %add3A_368 = arith.constant 4096 : i32
        %add3A_369 = arith.addi %add3A_368, %mul3A_367 : i32
        %get3A_370 = arith.index_cast %add3A_369 : i32 to index
        %get3A_371 = tpu.vector_load %arg5[%get3A_370] {strides = array<i32>} : memref<16384xi32, #tpu.memory_space<vmem>>, vector<16xi32>,
        %gather3A_372 = tpu.vector_load_idx %arg6[%get3A_371] : memref<100000xf32, #tpu.memory_space<vmem>>[vector<16xi32>], vector<16xf32>,
        %mul3A_373 = arith.constant 16 : i32
        %mul3A_374 = arith.muli %add3A_365, %mul3A_373 : i32
        %swap3A_375 = arith.constant 1 : i32
        %swap3A_376 = arith.index_cast %swap3A_375 : i32 to index
        %swap3A_377 = arith.index_cast %mul3A_374 : i32 to index
        %swap3A_378 = tpu.vector_load %arg7[%swap3A_376, %swap3A_377] {strides = array<i32>} : memref<2x4096xf32, #tpu.memory_space<vmem>>, vector<16xf32>,
        tpu.vector_store %arg7[%swap3A_376, %swap3A_377], %gather3A_372 {strides = array<i32>} : memref<2x4096xf32, #tpu.memory_space<vmem>>, vector<16xf32>,
        %scan3A_379 = arith.constant 5 : i32
        %scan3A_380 = arith.addi %scan3A_288, %scan3A_379 : i32
        %mul3A_381 = arith.constant 1 : i32
        %mul3A_382 = arith.muli %scan3A_380, %mul3A_381 : i32
        %add3A_383 = arith.constant 0 : i32
        %add3A_384 = arith.addi %add3A_383, %mul3A_382 : i32
        %mul3A_385 = arith.constant 16 : i32
        %mul3A_386 = arith.muli %add3A_384, %mul3A_385 : i32
        %add3A_387 = arith.constant 4096 : i32
        %add3A_388 = arith.addi %add3A_387, %mul3A_386 : i32
        %get3A_389 = arith.index_cast %add3A_388 : i32 to index
        %get3A_390 = tpu.vector_load %arg5[%get3A_389] {strides = array<i32>} : memref<16384xi32, #tpu.memory_space<vmem>>, vector<16xi32>,
        %gather3A_391 = tpu.vector_load_idx %arg6[%get3A_390] : memref<100000xf32, #tpu.memory_space<vmem>>[vector<16xi32>], vector<16xf32>,
        %mul3A_392 = arith.constant 16 : i32
        %mul3A_393 = arith.muli %add3A_384, %mul3A_392 : i32
        %swap3A_394 = arith.constant 1 : i32
        %swap3A_395 = arith.index_cast %swap3A_394 : i32 to index
        %swap3A_396 = arith.index_cast %mul3A_393 : i32 to index
        %swap3A_397 = tpu.vector_load %arg7[%swap3A_395, %swap3A_396] {strides = array<i32>} : memref<2x4096xf32, #tpu.memory_space<vmem>>, vector<16xf32>,
        tpu.vector_store %arg7[%swap3A_395, %swap3A_396], %gather3A_391 {strides = array<i32>} : memref<2x4096xf32, #tpu.memory_space<vmem>>, vector<16xf32>,
        %scan3A_398 = arith.constant 6 : i32
        %scan3A_399 = arith.addi %scan3A_288, %scan3A_398 : i32
        %mul3A_400 = arith.constant 1 : i32
        %mul3A_401 = arith.muli %scan3A_399, %mul3A_400 : i32
        %add3A_402 = arith.constant 0 : i32
        %add3A_403 = arith.addi %add3A_402, %mul3A_401 : i32
        %mul3A_404 = arith.constant 16 : i32
        %mul3A_405 = arith.muli %add3A_403, %mul3A_404 : i32
        %add3A_406 = arith.constant 4096 : i32
        %add3A_407 = arith.addi %add3A_406, %mul3A_405 : i32
        %get3A_408 = arith.index_cast %add3A_407 : i32 to index
        %get3A_409 = tpu.vector_load %arg5[%get3A_408] {strides = array<i32>} : memref<16384xi32, #tpu.memory_space<vmem>>, vector<16xi32>,
        %gather3A_410 = tpu.vector_load_idx %arg6[%get3A_409] : memref<100000xf32, #tpu.memory_space<vmem>>[vector<16xi32>], vector<16xf32>,
        %mul3A_411 = arith.constant 16 : i32
        %mul3A_412 = arith.muli %add3A_403, %mul3A_411 : i32
        %swap3A_413 = arith.constant 1 : i32
        %swap3A_414 = arith.index_cast %swap3A_413 : i32 to index
        %swap3A_415 = arith.index_cast %mul3A_412 : i32 to index
        %swap3A_416 = tpu.vector_load %arg7[%swap3A_414, %swap3A_415] {strides = array<i32>} : memref<2x4096xf32, #tpu.memory_space<vmem>>, vector<16xf32>,
        tpu.vector_store %arg7[%swap3A_414, %swap3A_415], %gather3A_410 {strides = array<i32>} : memref<2x4096xf32, #tpu.memory_space<vmem>>, vector<16xf32>,
        %scan3A_417 = arith.constant 7 : i32
        %scan3A_418 = arith.addi %scan3A_288, %scan3A_417 : i32
        %mul3A_419 = arith.constant 1 : i32
        %mul3A_420 = arith.muli %scan3A_418, %mul3A_419 : i32
        %add3A_421 = arith.constant 0 : i32
        %add3A_422 = arith.addi %add3A_421, %mul3A_420 : i32
        %mul3A_423 = arith.constant 16 : i32
        %mul3A_424 = arith.muli %add3A_422, %mul3A_423 : i32
        %add3A_425 = arith.constant 4096 : i32
        %add3A_426 = arith.addi %add3A_425, %mul3A_424 : i32
        %get3A_427 = arith.index_cast %add3A_426 : i32 to index
        %get3A_428 = tpu.vector_load %arg5[%get3A_427] {strides = array<i32>} : memref<16384xi32, #tpu.memory_space<vmem>>, vector<16xi32>,
        %gather3A_429 = tpu.vector_load_idx %arg6[%get3A_428] : memref<100000xf32, #tpu.memory_space<vmem>>[vector<16xi32>], vector<16xf32>,
        %mul3A_430 = arith.constant 16 : i32
        %mul3A_431 = arith.muli %add3A_422, %mul3A_430 : i32
        %swap3A_432 = arith.constant 1 : i32
        %swap3A_433 = arith.index_cast %swap3A_432 : i32 to index
        %swap3A_434 = arith.index_cast %mul3A_431 : i32 to index
        %swap3A_435 = tpu.vector_load %arg7[%swap3A_433, %swap3A_434] {strides = array<i32>} : memref<2x4096xf32, #tpu.memory_space<vmem>>, vector<16xf32>,
        tpu.vector_store %arg7[%swap3A_433, %swap3A_434], %gather3A_429 {strides = array<i32>} : memref<2x4096xf32, #tpu.memory_space<vmem>>, vector<16xf32>,
      }
      %scan3A_186 = arith.constant 256 : i32
      %dma_start3A_187 = arith.constant 1 : i32
      %dma_start3A_188 = arith.constant 0 : i32
      %dma_start3A_189 = tpu.memref_slice %arg7[%dma_start3A_187, %dma_start3A_188] : memref<2x4096xf32, #tpu.memory_space<vmem>> -> memref<1x4096xf32, #tpu.memory_space<vmem>>
      %dma_start3A_190 = tpu.memref_squeeze %dma_start3A_189 : memref<1x4096xf32, #tpu.memory_space<vmem>> -> memref<4096xf32, #tpu.memory_space<vmem>>
      %dma_start3A_191 = arith.constant 4096 : i32
      %dma_start3A_192 = tpu.memref_slice %arg4[%add3A_9, %add3A_151, %dma_start3A_191] : memref<26x64x16384xf32, #tpu.memory_space<hbm>> -> memref<1x1x4096xf32, #tpu.memory_space<hbm>>
      %dma_start3A_193 = tpu.memref_squeeze %dma_start3A_192 : memref<1x1x4096xf32, #tpu.memory_space<hbm>> -> memref<4096xf32, #tpu.memory_space<hbm>>
      %dma_start3A_194 = arith.constant 4096 : i32
      %dma_start3A_195 = tpu.memref_slice %arg4[%add3A_9, %add3A_151, %dma_start3A_194] : memref<26x64x16384xf32, #tpu.memory_space<hbm>> -> memref<1x1x4096xf32, #tpu.memory_space<hbm>>
      %dma_start3A_196 = tpu.memref_squeeze %dma_start3A_195 : memref<1x1x4096xf32, #tpu.memory_space<hbm>> -> memref<4096xf32, #tpu.memory_space<hbm>>
      %dma_start3A_197 = arith.constant 0 : i32
      %dma_start3A_198 = tpu.memref_slice %arg7[%dma_start3A_187, %dma_start3A_197] : memref<2x4096xf32, #tpu.memory_space<vmem>> -> memref<1x4096xf32, #tpu.memory_space<vmem>>
      %dma_start3A_199 = tpu.memref_squeeze %dma_start3A_198 : memref<1x4096xf32, #tpu.memory_space<vmem>> -> memref<4096xf32, #tpu.memory_space<vmem>>
      tpu.enqueue_dma source(%dma_start3A_199 : memref<4096xf32, #tpu.memory_space<vmem>>) target(%dma_start3A_196 : memref<4096xf32, #tpu.memory_space<hbm>>) target_semaphore(%arg9 : memref<!tpu.dma_semaphore, #tpu.memory_space<semaphore_mem>>)
      %dma_wait3A_200 = arith.constant 0 : i32
      %dma_wait3A_201 = arith.constant 0 : i32
      %dma_wait3A_202 = tpu.memref_slice %arg7[%dma_wait3A_200, %dma_wait3A_201] : memref<2x4096xf32, #tpu.memory_space<vmem>> -> memref<1x4096xf32, #tpu.memory_space<vmem>>
      %dma_wait3A_203 = tpu.memref_squeeze %dma_wait3A_202 : memref<1x4096xf32, #tpu.memory_space<vmem>> -> memref<4096xf32, #tpu.memory_space<vmem>>
      %dma_wait3A_204 = arith.constant 0 : i32
      %dma_wait3A_205 = tpu.memref_slice %arg4[%add3A_9, %add3A_151, %dma_wait3A_204] : memref<26x64x16384xf32, #tpu.memory_space<hbm>> -> memref<1x1x4096xf32, #tpu.memory_space<hbm>>
      %dma_wait3A_206 = tpu.memref_squeeze %dma_wait3A_205 : memref<1x1x4096xf32, #tpu.memory_space<hbm>> -> memref<4096xf32, #tpu.memory_space<hbm>>
      %dma_wait3A_207 = arith.constant 0 : i32
      %dma_wait3A_208 = tpu.memref_slice %arg4[%add3A_9, %add3A_151, %dma_wait3A_207] : memref<26x64x16384xf32, #tpu.memory_space<hbm>> -> memref<1x1x4096xf32, #tpu.memory_space<hbm>>
      %dma_wait3A_209 = tpu.memref_squeeze %dma_wait3A_208 : memref<1x1x4096xf32, #tpu.memory_space<hbm>> -> memref<4096xf32, #tpu.memory_space<hbm>>
      %dma_wait3A_210 = arith.constant 0 : i32
      %dma_wait3A_211 = tpu.memref_slice %arg7[%dma_wait3A_200, %dma_wait3A_210] : memref<2x4096xf32, #tpu.memory_space<vmem>> -> memref<1x4096xf32, #tpu.memory_space<vmem>>
      %dma_wait3A_212 = tpu.memref_squeeze %dma_wait3A_211 : memref<1x4096xf32, #tpu.memory_space<vmem>> -> memref<4096xf32, #tpu.memory_space<vmem>>
      tpu.wait_dma2 semaphore(%arg9 : memref<!tpu.dma_semaphore, #tpu.memory_space<semaphore_mem>>) src(%dma_wait3A_212 : memref<4096xf32, #tpu.memory_space<vmem>>) dst(%dma_wait3A_209 : memref<4096xf32, #tpu.memory_space<hbm>>)
      %scan3A_213 = arith.constant 0 : i32
      %scan3A_214 = arith.constant 256 : i32
      %scan3A_215 = arith.addi %scan3A_213, %scan3A_214 : i32
      %scan3A_216 = arith.constant 8 : i32
      scf.for %scan3A_288 = %scan3A_213 to %scan3A_215 step %scan3A_216  : i32 {
        %mul3A_289 = arith.constant 1 : i32
        %mul3A_290 = arith.muli %scan3A_288, %mul3A_289 : i32
        %add3A_291 = arith.constant 0 : i32
        %add3A_292 = arith.addi %add3A_291, %mul3A_290 : i32
        %mul3A_293 = arith.constant 16 : i32
        %mul3A_294 = arith.muli %add3A_292, %mul3A_293 : i32
        %add3A_295 = arith.constant 8192 : i32
        %add3A_296 = arith.addi %add3A_295, %mul3A_294 : i32
        %get3A = arith.index_cast %add3A_296 : i32 to index
        %get3A_297 = tpu.vector_load %arg5[%get3A] {strides = array<i32>} : memref<16384xi32, #tpu.memory_space<vmem>>, vector<16xi32>,
        %gather3A = tpu.vector_load_idx %arg6[%get3A_297] : memref<100000xf32, #tpu.memory_space<vmem>>[vector<16xi32>], vector<16xf32>,
        %mul3A_298 = arith.constant 16 : i32
        %mul3A_299 = arith.muli %add3A_292, %mul3A_298 : i32
        %swap3A = arith.constant 0 : i32
        %swap3A_300 = arith.index_cast %swap3A : i32 to index
        %swap3A_301 = arith.index_cast %mul3A_299 : i32 to index
        %swap3A_302 = tpu.vector_load %arg7[%swap3A_300, %swap3A_301] {strides = array<i32>} : memref<2x4096xf32, #tpu.memory_space<vmem>>, vector<16xf32>,
        tpu.vector_store %arg7[%swap3A_300, %swap3A_301], %gather3A {strides = array<i32>} : memref<2x4096xf32, #tpu.memory_space<vmem>>, vector<16xf32>,
        %scan3A_303 = arith.constant 1 : i32
        %scan3A_304 = arith.addi %scan3A_288, %scan3A_303 : i32
        %mul3A_305 = arith.constant 1 : i32
        %mul3A_306 = arith.muli %scan3A_304, %mul3A_305 : i32
        %add3A_307 = arith.constant 0 : i32
        %add3A_308 = arith.addi %add3A_307, %mul3A_306 : i32
        %mul3A_309 = arith.constant 16 : i32
        %mul3A_310 = arith.muli %add3A_308, %mul3A_309 : i32
        %add3A_311 = arith.constant 8192 : i32
        %add3A_312 = arith.addi %add3A_311, %mul3A_310 : i32
        %get3A_313 = arith.index_cast %add3A_312 : i32 to index
        %get3A_314 = tpu.vector_load %arg5[%get3A_313] {strides = array<i32>} : memref<16384xi32, #tpu.memory_space<vmem>>, vector<16xi32>,
        %gather3A_315 = tpu.vector_load_idx %arg6[%get3A_314] : memref<100000xf32, #tpu.memory_space<vmem>>[vector<16xi32>], vector<16xf32>,
        %mul3A_316 = arith.constant 16 : i32
        %mul3A_317 = arith.muli %add3A_308, %mul3A_316 : i32
        %swap3A_318 = arith.constant 0 : i32
        %swap3A_319 = arith.index_cast %swap3A_318 : i32 to index
        %swap3A_320 = arith.index_cast %mul3A_317 : i32 to index
        %swap3A_321 = tpu.vector_load %arg7[%swap3A_319, %swap3A_320] {strides = array<i32>} : memref<2x4096xf32, #tpu.memory_space<vmem>>, vector<16xf32>,
        tpu.vector_store %arg7[%swap3A_319, %swap3A_320], %gather3A_315 {strides = array<i32>} : memref<2x4096xf32, #tpu.memory_space<vmem>>, vector<16xf32>,
        %scan3A_322 = arith.constant 2 : i32
        %scan3A_323 = arith.addi %scan3A_288, %scan3A_322 : i32
        %mul3A_324 = arith.constant 1 : i32
        %mul3A_325 = arith.muli %scan3A_323, %mul3A_324 : i32
        %add3A_326 = arith.constant 0 : i32
        %add3A_327 = arith.addi %add3A_326, %mul3A_325 : i32
        %mul3A_328 = arith.constant 16 : i32
        %mul3A_329 = arith.muli %add3A_327, %mul3A_328 : i32
        %add3A_330 = arith.constant 8192 : i32
        %add3A_331 = arith.addi %add3A_330, %mul3A_329 : i32
        %get3A_332 = arith.index_cast %add3A_331 : i32 to index
        %get3A_333 = tpu.vector_load %arg5[%get3A_332] {strides = array<i32>} : memref<16384xi32, #tpu.memory_space<vmem>>, vector<16xi32>,
        %gather3A_334 = tpu.vector_load_idx %arg6[%get3A_333] : memref<100000xf32, #tpu.memory_space<vmem>>[vector<16xi32>], vector<16xf32>,
        %mul3A_335 = arith.constant 16 : i32
        %mul3A_336 = arith.muli %add3A_327, %mul3A_335 : i32
        %swap3A_337 = arith.constant 0 : i32
        %swap3A_338 = arith.index_cast %swap3A_337 : i32 to index
        %swap3A_339 = arith.index_cast %mul3A_336 : i32 to index
        %swap3A_340 = tpu.vector_load %arg7[%swap3A_338, %swap3A_339] {strides = array<i32>} : memref<2x4096xf32, #tpu.memory_space<vmem>>, vector<16xf32>,
        tpu.vector_store %arg7[%swap3A_338, %swap3A_339], %gather3A_334 {strides = array<i32>} : memref<2x4096xf32, #tpu.memory_space<vmem>>, vector<16xf32>,
        %scan3A_341 = arith.constant 3 : i32
        %scan3A_342 = arith.addi %scan3A_288, %scan3A_341 : i32
        %mul3A_343 = arith.constant 1 : i32
        %mul3A_344 = arith.muli %scan3A_342, %mul3A_343 : i32
        %add3A_345 = arith.constant 0 : i32
        %add3A_346 = arith.addi %add3A_345, %mul3A_344 : i32
        %mul3A_347 = arith.constant 16 : i32
        %mul3A_348 = arith.muli %add3A_346, %mul3A_347 : i32
        %add3A_349 = arith.constant 8192 : i32
        %add3A_350 = arith.addi %add3A_349, %mul3A_348 : i32
        %get3A_351 = arith.index_cast %add3A_350 : i32 to index
        %get3A_352 = tpu.vector_load %arg5[%get3A_351] {strides = array<i32>} : memref<16384xi32, #tpu.memory_space<vmem>>, vector<16xi32>,
        %gather3A_353 = tpu.vector_load_idx %arg6[%get3A_352] : memref<100000xf32, #tpu.memory_space<vmem>>[vector<16xi32>], vector<16xf32>,
        %mul3A_354 = arith.constant 16 : i32
        %mul3A_355 = arith.muli %add3A_346, %mul3A_354 : i32
        %swap3A_356 = arith.constant 0 : i32
        %swap3A_357 = arith.index_cast %swap3A_356 : i32 to index
        %swap3A_358 = arith.index_cast %mul3A_355 : i32 to index
        %swap3A_359 = tpu.vector_load %arg7[%swap3A_357, %swap3A_358] {strides = array<i32>} : memref<2x4096xf32, #tpu.memory_space<vmem>>, vector<16xf32>,
        tpu.vector_store %arg7[%swap3A_357, %swap3A_358], %gather3A_353 {strides = array<i32>} : memref<2x4096xf32, #tpu.memory_space<vmem>>, vector<16xf32>,
        %scan3A_360 = arith.constant 4 : i32
        %scan3A_361 = arith.addi %scan3A_288, %scan3A_360 : i32
        %mul3A_362 = arith.constant 1 : i32
        %mul3A_363 = arith.muli %scan3A_361, %mul3A_362 : i32
        %add3A_364 = arith.constant 0 : i32
        %add3A_365 = arith.addi %add3A_364, %mul3A_363 : i32
        %mul3A_366 = arith.constant 16 : i32
        %mul3A_367 = arith.muli %add3A_365, %mul3A_366 : i32
        %add3A_368 = arith.constant 8192 : i32
        %add3A_369 = arith.addi %add3A_368, %mul3A_367 : i32
        %get3A_370 = arith.index_cast %add3A_369 : i32 to index
        %get3A_371 = tpu.vector_load %arg5[%get3A_370] {strides = array<i32>} : memref<16384xi32, #tpu.memory_space<vmem>>, vector<16xi32>,
        %gather3A_372 = tpu.vector_load_idx %arg6[%get3A_371] : memref<100000xf32, #tpu.memory_space<vmem>>[vector<16xi32>], vector<16xf32>,
        %mul3A_373 = arith.constant 16 : i32
        %mul3A_374 = arith.muli %add3A_365, %mul3A_373 : i32
        %swap3A_375 = arith.constant 0 : i32
        %swap3A_376 = arith.index_cast %swap3A_375 : i32 to index
        %swap3A_377 = arith.index_cast %mul3A_374 : i32 to index
        %swap3A_378 = tpu.vector_load %arg7[%swap3A_376, %swap3A_377] {strides = array<i32>} : memref<2x4096xf32, #tpu.memory_space<vmem>>, vector<16xf32>,
        tpu.vector_store %arg7[%swap3A_376, %swap3A_377], %gather3A_372 {strides = array<i32>} : memref<2x4096xf32, #tpu.memory_space<vmem>>, vector<16xf32>,
        %scan3A_379 = arith.constant 5 : i32
        %scan3A_380 = arith.addi %scan3A_288, %scan3A_379 : i32
        %mul3A_381 = arith.constant 1 : i32
        %mul3A_382 = arith.muli %scan3A_380, %mul3A_381 : i32
        %add3A_383 = arith.constant 0 : i32
        %add3A_384 = arith.addi %add3A_383, %mul3A_382 : i32
        %mul3A_385 = arith.constant 16 : i32
        %mul3A_386 = arith.muli %add3A_384, %mul3A_385 : i32
        %add3A_387 = arith.constant 8192 : i32
        %add3A_388 = arith.addi %add3A_387, %mul3A_386 : i32
        %get3A_389 = arith.index_cast %add3A_388 : i32 to index
        %get3A_390 = tpu.vector_load %arg5[%get3A_389] {strides = array<i32>} : memref<16384xi32, #tpu.memory_space<vmem>>, vector<16xi32>,
        %gather3A_391 = tpu.vector_load_idx %arg6[%get3A_390] : memref<100000xf32, #tpu.memory_space<vmem>>[vector<16xi32>], vector<16xf32>,
        %mul3A_392 = arith.constant 16 : i32
        %mul3A_393 = arith.muli %add3A_384, %mul3A_392 : i32
        %swap3A_394 = arith.constant 0 : i32
        %swap3A_395 = arith.index_cast %swap3A_394 : i32 to index
        %swap3A_396 = arith.index_cast %mul3A_393 : i32 to index
        %swap3A_397 = tpu.vector_load %arg7[%swap3A_395, %swap3A_396] {strides = array<i32>} : memref<2x4096xf32, #tpu.memory_space<vmem>>, vector<16xf32>,
        tpu.vector_store %arg7[%swap3A_395, %swap3A_396], %gather3A_391 {strides = array<i32>} : memref<2x4096xf32, #tpu.memory_space<vmem>>, vector<16xf32>,
        %scan3A_398 = arith.constant 6 : i32
        %scan3A_399 = arith.addi %scan3A_288, %scan3A_398 : i32
        %mul3A_400 = arith.constant 1 : i32
        %mul3A_401 = arith.muli %scan3A_399, %mul3A_400 : i32
        %add3A_402 = arith.constant 0 : i32
        %add3A_403 = arith.addi %add3A_402, %mul3A_401 : i32
        %mul3A_404 = arith.constant 16 : i32
        %mul3A_405 = arith.muli %add3A_403, %mul3A_404 : i32
        %add3A_406 = arith.constant 8192 : i32
        %add3A_407 = arith.addi %add3A_406, %mul3A_405 : i32
        %get3A_408 = arith.index_cast %add3A_407 : i32 to index
        %get3A_409 = tpu.vector_load %arg5[%get3A_408] {strides = array<i32>} : memref<16384xi32, #tpu.memory_space<vmem>>, vector<16xi32>,
        %gather3A_410 = tpu.vector_load_idx %arg6[%get3A_409] : memref<100000xf32, #tpu.memory_space<vmem>>[vector<16xi32>], vector<16xf32>,
        %mul3A_411 = arith.constant 16 : i32
        %mul3A_412 = arith.muli %add3A_403, %mul3A_411 : i32
        %swap3A_413 = arith.constant 0 : i32
        %swap3A_414 = arith.index_cast %swap3A_413 : i32 to index
        %swap3A_415 = arith.index_cast %mul3A_412 : i32 to index
        %swap3A_416 = tpu.vector_load %arg7[%swap3A_414, %swap3A_415] {strides = array<i32>} : memref<2x4096xf32, #tpu.memory_space<vmem>>, vector<16xf32>,
        tpu.vector_store %arg7[%swap3A_414, %swap3A_415], %gather3A_410 {strides = array<i32>} : memref<2x4096xf32, #tpu.memory_space<vmem>>, vector<16xf32>,
        %scan3A_417 = arith.constant 7 : i32
        %scan3A_418 = arith.addi %scan3A_288, %scan3A_417 : i32
        %mul3A_419 = arith.constant 1 : i32
        %mul3A_420 = arith.muli %scan3A_418, %mul3A_419 : i32
        %add3A_421 = arith.constant 0 : i32
        %add3A_422 = arith.addi %add3A_421, %mul3A_420 : i32
        %mul3A_423 = arith.constant 16 : i32
        %mul3A_424 = arith.muli %add3A_422, %mul3A_423 : i32
        %add3A_425 = arith.constant 8192 : i32
        %add3A_426 = arith.addi %add3A_425, %mul3A_424 : i32
        %get3A_427 = arith.index_cast %add3A_426 : i32 to index
        %get3A_428 = tpu.vector_load %arg5[%get3A_427] {strides = array<i32>} : memref<16384xi32, #tpu.memory_space<vmem>>, vector<16xi32>,
        %gather3A_429 = tpu.vector_load_idx %arg6[%get3A_428] : memref<100000xf32, #tpu.memory_space<vmem>>[vector<16xi32>], vector<16xf32>,
        %mul3A_430 = arith.constant 16 : i32
        %mul3A_431 = arith.muli %add3A_422, %mul3A_430 : i32
        %swap3A_432 = arith.constant 0 : i32
        %swap3A_433 = arith.index_cast %swap3A_432 : i32 to index
        %swap3A_434 = arith.index_cast %mul3A_431 : i32 to index
        %swap3A_435 = tpu.vector_load %arg7[%swap3A_433, %swap3A_434] {strides = array<i32>} : memref<2x4096xf32, #tpu.memory_space<vmem>>, vector<16xf32>,
        tpu.vector_store %arg7[%swap3A_433, %swap3A_434], %gather3A_429 {strides = array<i32>} : memref<2x4096xf32, #tpu.memory_space<vmem>>, vector<16xf32>,
      }
      %scan3A_217 = arith.constant 256 : i32
      %dma_start3A_218 = arith.constant 0 : i32
      %dma_start3A_219 = arith.constant 0 : i32
      %dma_start3A_220 = tpu.memref_slice %arg7[%dma_start3A_218, %dma_start3A_219] : memref<2x4096xf32, #tpu.memory_space<vmem>> -> memref<1x4096xf32, #tpu.memory_space<vmem>>
      %dma_start3A_221 = tpu.memref_squeeze %dma_start3A_220 : memref<1x4096xf32, #tpu.memory_space<vmem>> -> memref<4096xf32, #tpu.memory_space<vmem>>
      %dma_start3A_222 = arith.constant 8192 : i32
      %dma_start3A_223 = tpu.memref_slice %arg4[%add3A_9, %add3A_151, %dma_start3A_222] : memref<26x64x16384xf32, #tpu.memory_space<hbm>> -> memref<1x1x4096xf32, #tpu.memory_space<hbm>>
      %dma_start3A_224 = tpu.memref_squeeze %dma_start3A_223 : memref<1x1x4096xf32, #tpu.memory_space<hbm>> -> memref<4096xf32, #tpu.memory_space<hbm>>
      %dma_start3A_225 = arith.constant 8192 : i32
      %dma_start3A_226 = tpu.memref_slice %arg4[%add3A_9, %add3A_151, %dma_start3A_225] : memref<26x64x16384xf32, #tpu.memory_space<hbm>> -> memref<1x1x4096xf32, #tpu.memory_space<hbm>>
      %dma_start3A_227 = tpu.memref_squeeze %dma_start3A_226 : memref<1x1x4096xf32, #tpu.memory_space<hbm>> -> memref<4096xf32, #tpu.memory_space<hbm>>
      %dma_start3A_228 = arith.constant 0 : i32
      %dma_start3A_229 = tpu.memref_slice %arg7[%dma_start3A_218, %dma_start3A_228] : memref<2x4096xf32, #tpu.memory_space<vmem>> -> memref<1x4096xf32, #tpu.memory_space<vmem>>
      %dma_start3A_230 = tpu.memref_squeeze %dma_start3A_229 : memref<1x4096xf32, #tpu.memory_space<vmem>> -> memref<4096xf32, #tpu.memory_space<vmem>>
      tpu.enqueue_dma source(%dma_start3A_230 : memref<4096xf32, #tpu.memory_space<vmem>>) target(%dma_start3A_227 : memref<4096xf32, #tpu.memory_space<hbm>>) target_semaphore(%arg9 : memref<!tpu.dma_semaphore, #tpu.memory_space<semaphore_mem>>)
      %dma_wait3A_231 = arith.constant 1 : i32
      %dma_wait3A_232 = arith.constant 0 : i32
      %dma_wait3A_233 = tpu.memref_slice %arg7[%dma_wait3A_231, %dma_wait3A_232] : memref<2x4096xf32, #tpu.memory_space<vmem>> -> memref<1x4096xf32, #tpu.memory_space<vmem>>
      %dma_wait3A_234 = tpu.memref_squeeze %dma_wait3A_233 : memref<1x4096xf32, #tpu.memory_space<vmem>> -> memref<4096xf32, #tpu.memory_space<vmem>>
      %dma_wait3A_235 = arith.constant 4096 : i32
      %dma_wait3A_236 = tpu.memref_slice %arg4[%add3A_9, %add3A_151, %dma_wait3A_235] : memref<26x64x16384xf32, #tpu.memory_space<hbm>> -> memref<1x1x4096xf32, #tpu.memory_space<hbm>>
      %dma_wait3A_237 = tpu.memref_squeeze %dma_wait3A_236 : memref<1x1x4096xf32, #tpu.memory_space<hbm>> -> memref<4096xf32, #tpu.memory_space<hbm>>
      %dma_wait3A_238 = arith.constant 4096 : i32
      %dma_wait3A_239 = tpu.memref_slice %arg4[%add3A_9, %add3A_151, %dma_wait3A_238] : memref<26x64x16384xf32, #tpu.memory_space<hbm>> -> memref<1x1x4096xf32, #tpu.memory_space<hbm>>
      %dma_wait3A_240 = tpu.memref_squeeze %dma_wait3A_239 : memref<1x1x4096xf32, #tpu.memory_space<hbm>> -> memref<4096xf32, #tpu.memory_space<hbm>>
      %dma_wait3A_241 = arith.constant 0 : i32
      %dma_wait3A_242 = tpu.memref_slice %arg7[%dma_wait3A_231, %dma_wait3A_241] : memref<2x4096xf32, #tpu.memory_space<vmem>> -> memref<1x4096xf32, #tpu.memory_space<vmem>>
      %dma_wait3A_243 = tpu.memref_squeeze %dma_wait3A_242 : memref<1x4096xf32, #tpu.memory_space<vmem>> -> memref<4096xf32, #tpu.memory_space<vmem>>
      tpu.wait_dma2 semaphore(%arg9 : memref<!tpu.dma_semaphore, #tpu.memory_space<semaphore_mem>>) src(%dma_wait3A_243 : memref<4096xf32, #tpu.memory_space<vmem>>) dst(%dma_wait3A_240 : memref<4096xf32, #tpu.memory_space<hbm>>)
      %scan3A_244 = arith.constant 0 : i32
      %scan3A_245 = arith.constant 256 : i32
      %scan3A_246 = arith.addi %scan3A_244, %scan3A_245 : i32
      %scan3A_247 = arith.constant 8 : i32
      scf.for %scan3A_288 = %scan3A_244 to %scan3A_246 step %scan3A_247  : i32 {
        %mul3A_289 = arith.constant 1 : i32
        %mul3A_290 = arith.muli %scan3A_288, %mul3A_289 : i32
        %add3A_291 = arith.constant 0 : i32
        %add3A_292 = arith.addi %add3A_291, %mul3A_290 : i32
        %mul3A_293 = arith.constant 16 : i32
        %mul3A_294 = arith.muli %add3A_292, %mul3A_293 : i32
        %add3A_295 = arith.constant 12288 : i32
        %add3A_296 = arith.addi %add3A_295, %mul3A_294 : i32
        %get3A = arith.index_cast %add3A_296 : i32 to index
        %get3A_297 = tpu.vector_load %arg5[%get3A] {strides = array<i32>} : memref<16384xi32, #tpu.memory_space<vmem>>, vector<16xi32>,
        %gather3A = tpu.vector_load_idx %arg6[%get3A_297] : memref<100000xf32, #tpu.memory_space<vmem>>[vector<16xi32>], vector<16xf32>,
        %mul3A_298 = arith.constant 16 : i32
        %mul3A_299 = arith.muli %add3A_292, %mul3A_298 : i32
        %swap3A = arith.constant 1 : i32
        %swap3A_300 = arith.index_cast %swap3A : i32 to index
        %swap3A_301 = arith.index_cast %mul3A_299 : i32 to index
        %swap3A_302 = tpu.vector_load %arg7[%swap3A_300, %swap3A_301] {strides = array<i32>} : memref<2x4096xf32, #tpu.memory_space<vmem>>, vector<16xf32>,
        tpu.vector_store %arg7[%swap3A_300, %swap3A_301], %gather3A {strides = array<i32>} : memref<2x4096xf32, #tpu.memory_space<vmem>>, vector<16xf32>,
        %scan3A_303 = arith.constant 1 : i32
        %scan3A_304 = arith.addi %scan3A_288, %scan3A_303 : i32
        %mul3A_305 = arith.constant 1 : i32
        %mul3A_306 = arith.muli %scan3A_304, %mul3A_305 : i32
        %add3A_307 = arith.constant 0 : i32
        %add3A_308 = arith.addi %add3A_307, %mul3A_306 : i32
        %mul3A_309 = arith.constant 16 : i32
        %mul3A_310 = arith.muli %add3A_308, %mul3A_309 : i32
        %add3A_311 = arith.constant 12288 : i32
        %add3A_312 = arith.addi %add3A_311, %mul3A_310 : i32
        %get3A_313 = arith.index_cast %add3A_312 : i32 to index
        %get3A_314 = tpu.vector_load %arg5[%get3A_313] {strides = array<i32>} : memref<16384xi32, #tpu.memory_space<vmem>>, vector<16xi32>,
        %gather3A_315 = tpu.vector_load_idx %arg6[%get3A_314] : memref<100000xf32, #tpu.memory_space<vmem>>[vector<16xi32>], vector<16xf32>,
        %mul3A_316 = arith.constant 16 : i32
        %mul3A_317 = arith.muli %add3A_308, %mul3A_316 : i32
        %swap3A_318 = arith.constant 1 : i32
        %swap3A_319 = arith.index_cast %swap3A_318 : i32 to index
        %swap3A_320 = arith.index_cast %mul3A_317 : i32 to index
        %swap3A_321 = tpu.vector_load %arg7[%swap3A_319, %swap3A_320] {strides = array<i32>} : memref<2x4096xf32, #tpu.memory_space<vmem>>, vector<16xf32>,
        tpu.vector_store %arg7[%swap3A_319, %swap3A_320], %gather3A_315 {strides = array<i32>} : memref<2x4096xf32, #tpu.memory_space<vmem>>, vector<16xf32>,
        %scan3A_322 = arith.constant 2 : i32
        %scan3A_323 = arith.addi %scan3A_288, %scan3A_322 : i32
        %mul3A_324 = arith.constant 1 : i32
        %mul3A_325 = arith.muli %scan3A_323, %mul3A_324 : i32
        %add3A_326 = arith.constant 0 : i32
        %add3A_327 = arith.addi %add3A_326, %mul3A_325 : i32
        %mul3A_328 = arith.constant 16 : i32
        %mul3A_329 = arith.muli %add3A_327, %mul3A_328 : i32
        %add3A_330 = arith.constant 12288 : i32
        %add3A_331 = arith.addi %add3A_330, %mul3A_329 : i32
        %get3A_332 = arith.index_cast %add3A_331 : i32 to index
        %get3A_333 = tpu.vector_load %arg5[%get3A_332] {strides = array<i32>} : memref<16384xi32, #tpu.memory_space<vmem>>, vector<16xi32>,
        %gather3A_334 = tpu.vector_load_idx %arg6[%get3A_333] : memref<100000xf32, #tpu.memory_space<vmem>>[vector<16xi32>], vector<16xf32>,
        %mul3A_335 = arith.constant 16 : i32
        %mul3A_336 = arith.muli %add3A_327, %mul3A_335 : i32
        %swap3A_337 = arith.constant 1 : i32
        %swap3A_338 = arith.index_cast %swap3A_337 : i32 to index
        %swap3A_339 = arith.index_cast %mul3A_336 : i32 to index
        %swap3A_340 = tpu.vector_load %arg7[%swap3A_338, %swap3A_339] {strides = array<i32>} : memref<2x4096xf32, #tpu.memory_space<vmem>>, vector<16xf32>,
        tpu.vector_store %arg7[%swap3A_338, %swap3A_339], %gather3A_334 {strides = array<i32>} : memref<2x4096xf32, #tpu.memory_space<vmem>>, vector<16xf32>,
        %scan3A_341 = arith.constant 3 : i32
        %scan3A_342 = arith.addi %scan3A_288, %scan3A_341 : i32
        %mul3A_343 = arith.constant 1 : i32
        %mul3A_344 = arith.muli %scan3A_342, %mul3A_343 : i32
        %add3A_345 = arith.constant 0 : i32
        %add3A_346 = arith.addi %add3A_345, %mul3A_344 : i32
        %mul3A_347 = arith.constant 16 : i32
        %mul3A_348 = arith.muli %add3A_346, %mul3A_347 : i32
        %add3A_349 = arith.constant 12288 : i32
        %add3A_350 = arith.addi %add3A_349, %mul3A_348 : i32
        %get3A_351 = arith.index_cast %add3A_350 : i32 to index
        %get3A_352 = tpu.vector_load %arg5[%get3A_351] {strides = array<i32>} : memref<16384xi32, #tpu.memory_space<vmem>>, vector<16xi32>,
        %gather3A_353 = tpu.vector_load_idx %arg6[%get3A_352] : memref<100000xf32, #tpu.memory_space<vmem>>[vector<16xi32>], vector<16xf32>,
        %mul3A_354 = arith.constant 16 : i32
        %mul3A_355 = arith.muli %add3A_346, %mul3A_354 : i32
        %swap3A_356 = arith.constant 1 : i32
        %swap3A_357 = arith.index_cast %swap3A_356 : i32 to index
        %swap3A_358 = arith.index_cast %mul3A_355 : i32 to index
        %swap3A_359 = tpu.vector_load %arg7[%swap3A_357, %swap3A_358] {strides = array<i32>} : memref<2x4096xf32, #tpu.memory_space<vmem>>, vector<16xf32>,
        tpu.vector_store %arg7[%swap3A_357, %swap3A_358], %gather3A_353 {strides = array<i32>} : memref<2x4096xf32, #tpu.memory_space<vmem>>, vector<16xf32>,
        %scan3A_360 = arith.constant 4 : i32
        %scan3A_361 = arith.addi %scan3A_288, %scan3A_360 : i32
        %mul3A_362 = arith.constant 1 : i32
        %mul3A_363 = arith.muli %scan3A_361, %mul3A_362 : i32
        %add3A_364 = arith.constant 0 : i32
        %add3A_365 = arith.addi %add3A_364, %mul3A_363 : i32
        %mul3A_366 = arith.constant 16 : i32
        %mul3A_367 = arith.muli %add3A_365, %mul3A_366 : i32
        %add3A_368 = arith.constant 12288 : i32
        %add3A_369 = arith.addi %add3A_368, %mul3A_367 : i32
        %get3A_370 = arith.index_cast %add3A_369 : i32 to index
        %get3A_371 = tpu.vector_load %arg5[%get3A_370] {strides = array<i32>} : memref<16384xi32, #tpu.memory_space<vmem>>, vector<16xi32>,
        %gather3A_372 = tpu.vector_load_idx %arg6[%get3A_371] : memref<100000xf32, #tpu.memory_space<vmem>>[vector<16xi32>], vector<16xf32>,
        %mul3A_373 = arith.constant 16 : i32
        %mul3A_374 = arith.muli %add3A_365, %mul3A_373 : i32
        %swap3A_375 = arith.constant 1 : i32
        %swap3A_376 = arith.index_cast %swap3A_375 : i32 to index
        %swap3A_377 = arith.index_cast %mul3A_374 : i32 to index
        %swap3A_378 = tpu.vector_load %arg7[%swap3A_376, %swap3A_377] {strides = array<i32>} : memref<2x4096xf32, #tpu.memory_space<vmem>>, vector<16xf32>,
        tpu.vector_store %arg7[%swap3A_376, %swap3A_377], %gather3A_372 {strides = array<i32>} : memref<2x4096xf32, #tpu.memory_space<vmem>>, vector<16xf32>,
        %scan3A_379 = arith.constant 5 : i32
        %scan3A_380 = arith.addi %scan3A_288, %scan3A_379 : i32
        %mul3A_381 = arith.constant 1 : i32
        %mul3A_382 = arith.muli %scan3A_380, %mul3A_381 : i32
        %add3A_383 = arith.constant 0 : i32
        %add3A_384 = arith.addi %add3A_383, %mul3A_382 : i32
        %mul3A_385 = arith.constant 16 : i32
        %mul3A_386 = arith.muli %add3A_384, %mul3A_385 : i32
        %add3A_387 = arith.constant 12288 : i32
        %add3A_388 = arith.addi %add3A_387, %mul3A_386 : i32
        %get3A_389 = arith.index_cast %add3A_388 : i32 to index
        %get3A_390 = tpu.vector_load %arg5[%get3A_389] {strides = array<i32>} : memref<16384xi32, #tpu.memory_space<vmem>>, vector<16xi32>,
        %gather3A_391 = tpu.vector_load_idx %arg6[%get3A_390] : memref<100000xf32, #tpu.memory_space<vmem>>[vector<16xi32>], vector<16xf32>,
        %mul3A_392 = arith.constant 16 : i32
        %mul3A_393 = arith.muli %add3A_384, %mul3A_392 : i32
        %swap3A_394 = arith.constant 1 : i32
        %swap3A_395 = arith.index_cast %swap3A_394 : i32 to index
        %swap3A_396 = arith.index_cast %mul3A_393 : i32 to index
        %swap3A_397 = tpu.vector_load %arg7[%swap3A_395, %swap3A_396] {strides = array<i32>} : memref<2x4096xf32, #tpu.memory_space<vmem>>, vector<16xf32>,
        tpu.vector_store %arg7[%swap3A_395, %swap3A_396], %gather3A_391 {strides = array<i32>} : memref<2x4096xf32, #tpu.memory_space<vmem>>, vector<16xf32>,
        %scan3A_398 = arith.constant 6 : i32
        %scan3A_399 = arith.addi %scan3A_288, %scan3A_398 : i32
        %mul3A_400 = arith.constant 1 : i32
        %mul3A_401 = arith.muli %scan3A_399, %mul3A_400 : i32
        %add3A_402 = arith.constant 0 : i32
        %add3A_403 = arith.addi %add3A_402, %mul3A_401 : i32
        %mul3A_404 = arith.constant 16 : i32
        %mul3A_405 = arith.muli %add3A_403, %mul3A_404 : i32
        %add3A_406 = arith.constant 12288 : i32
        %add3A_407 = arith.addi %add3A_406, %mul3A_405 : i32
        %get3A_408 = arith.index_cast %add3A_407 : i32 to index
        %get3A_409 = tpu.vector_load %arg5[%get3A_408] {strides = array<i32>} : memref<16384xi32, #tpu.memory_space<vmem>>, vector<16xi32>,
        %gather3A_410 = tpu.vector_load_idx %arg6[%get3A_409] : memref<100000xf32, #tpu.memory_space<vmem>>[vector<16xi32>], vector<16xf32>,
        %mul3A_411 = arith.constant 16 : i32
        %mul3A_412 = arith.muli %add3A_403, %mul3A_411 : i32
        %swap3A_413 = arith.constant 1 : i32
        %swap3A_414 = arith.index_cast %swap3A_413 : i32 to index
        %swap3A_415 = arith.index_cast %mul3A_412 : i32 to index
        %swap3A_416 = tpu.vector_load %arg7[%swap3A_414, %swap3A_415] {strides = array<i32>} : memref<2x4096xf32, #tpu.memory_space<vmem>>, vector<16xf32>,
        tpu.vector_store %arg7[%swap3A_414, %swap3A_415], %gather3A_410 {strides = array<i32>} : memref<2x4096xf32, #tpu.memory_space<vmem>>, vector<16xf32>,
        %scan3A_417 = arith.constant 7 : i32
        %scan3A_418 = arith.addi %scan3A_288, %scan3A_417 : i32
        %mul3A_419 = arith.constant 1 : i32
        %mul3A_420 = arith.muli %scan3A_418, %mul3A_419 : i32
        %add3A_421 = arith.constant 0 : i32
        %add3A_422 = arith.addi %add3A_421, %mul3A_420 : i32
        %mul3A_423 = arith.constant 16 : i32
        %mul3A_424 = arith.muli %add3A_422, %mul3A_423 : i32
        %add3A_425 = arith.constant 12288 : i32
        %add3A_426 = arith.addi %add3A_425, %mul3A_424 : i32
        %get3A_427 = arith.index_cast %add3A_426 : i32 to index
        %get3A_428 = tpu.vector_load %arg5[%get3A_427] {strides = array<i32>} : memref<16384xi32, #tpu.memory_space<vmem>>, vector<16xi32>,
        %gather3A_429 = tpu.vector_load_idx %arg6[%get3A_428] : memref<100000xf32, #tpu.memory_space<vmem>>[vector<16xi32>], vector<16xf32>,
        %mul3A_430 = arith.constant 16 : i32
        %mul3A_431 = arith.muli %add3A_422, %mul3A_430 : i32
        %swap3A_432 = arith.constant 1 : i32
        %swap3A_433 = arith.index_cast %swap3A_432 : i32 to index
        %swap3A_434 = arith.index_cast %mul3A_431 : i32 to index
        %swap3A_435 = tpu.vector_load %arg7[%swap3A_433, %swap3A_434] {strides = array<i32>} : memref<2x4096xf32, #tpu.memory_space<vmem>>, vector<16xf32>,
        tpu.vector_store %arg7[%swap3A_433, %swap3A_434], %gather3A_429 {strides = array<i32>} : memref<2x4096xf32, #tpu.memory_space<vmem>>, vector<16xf32>,
      }
      %scan3A_248 = arith.constant 256 : i32
      %dma_start3A_249 = arith.constant 1 : i32
      %dma_start3A_250 = arith.constant 0 : i32
      %dma_start3A_251 = tpu.memref_slice %arg7[%dma_start3A_249, %dma_start3A_250] : memref<2x4096xf32, #tpu.memory_space<vmem>> -> memref<1x4096xf32, #tpu.memory_space<vmem>>
      %dma_start3A_252 = tpu.memref_squeeze %dma_start3A_251 : memref<1x4096xf32, #tpu.memory_space<vmem>> -> memref<4096xf32, #tpu.memory_space<vmem>>
      %dma_start3A_253 = arith.constant 12288 : i32
      %dma_start3A_254 = tpu.memref_slice %arg4[%add3A_9, %add3A_151, %dma_start3A_253] : memref<26x64x16384xf32, #tpu.memory_space<hbm>> -> memref<1x1x4096xf32, #tpu.memory_space<hbm>>
      %dma_start3A_255 = tpu.memref_squeeze %dma_start3A_254 : memref<1x1x4096xf32, #tpu.memory_space<hbm>> -> memref<4096xf32, #tpu.memory_space<hbm>>
      %dma_start3A_256 = arith.constant 12288 : i32
      %dma_start3A_257 = tpu.memref_slice %arg4[%add3A_9, %add3A_151, %dma_start3A_256] : memref<26x64x16384xf32, #tpu.memory_space<hbm>> -> memref<1x1x4096xf32, #tpu.memory_space<hbm>>
      %dma_start3A_258 = tpu.memref_squeeze %dma_start3A_257 : memref<1x1x4096xf32, #tpu.memory_space<hbm>> -> memref<4096xf32, #tpu.memory_space<hbm>>
      %dma_start3A_259 = arith.constant 0 : i32
      %dma_start3A_260 = tpu.memref_slice %arg7[%dma_start3A_249, %dma_start3A_259] : memref<2x4096xf32, #tpu.memory_space<vmem>> -> memref<1x4096xf32, #tpu.memory_space<vmem>>
      %dma_start3A_261 = tpu.memref_squeeze %dma_start3A_260 : memref<1x4096xf32, #tpu.memory_space<vmem>> -> memref<4096xf32, #tpu.memory_space<vmem>>
      tpu.enqueue_dma source(%dma_start3A_261 : memref<4096xf32, #tpu.memory_space<vmem>>) target(%dma_start3A_258 : memref<4096xf32, #tpu.memory_space<hbm>>) target_semaphore(%arg9 : memref<!tpu.dma_semaphore, #tpu.memory_space<semaphore_mem>>)
      %dma_wait3A_262 = arith.constant 0 : i32
      %dma_wait3A_263 = arith.constant 0 : i32
      %dma_wait3A_264 = tpu.memref_slice %arg7[%dma_wait3A_262, %dma_wait3A_263] : memref<2x4096xf32, #tpu.memory_space<vmem>> -> memref<1x4096xf32, #tpu.memory_space<vmem>>
      %dma_wait3A_265 = tpu.memref_squeeze %dma_wait3A_264 : memref<1x4096xf32, #tpu.memory_space<vmem>> -> memref<4096xf32, #tpu.memory_space<vmem>>
      %dma_wait3A_266 = arith.constant 8192 : i32
      %dma_wait3A_267 = tpu.memref_slice %arg4[%add3A_9, %add3A_151, %dma_wait3A_266] : memref<26x64x16384xf32, #tpu.memory_space<hbm>> -> memref<1x1x4096xf32, #tpu.memory_space<hbm>>
      %dma_wait3A_268 = tpu.memref_squeeze %dma_wait3A_267 : memref<1x1x4096xf32, #tpu.memory_space<hbm>> -> memref<4096xf32, #tpu.memory_space<hbm>>
      %dma_wait3A_269 = arith.constant 8192 : i32
      %dma_wait3A_270 = tpu.memref_slice %arg4[%add3A_9, %add3A_151, %dma_wait3A_269] : memref<26x64x16384xf32, #tpu.memory_space<hbm>> -> memref<1x1x4096xf32, #tpu.memory_space<hbm>>
      %dma_wait3A_271 = tpu.memref_squeeze %dma_wait3A_270 : memref<1x1x4096xf32, #tpu.memory_space<hbm>> -> memref<4096xf32, #tpu.memory_space<hbm>>
      %dma_wait3A_272 = arith.constant 0 : i32
      %dma_wait3A_273 = tpu.memref_slice %arg7[%dma_wait3A_262, %dma_wait3A_272] : memref<2x4096xf32, #tpu.memory_space<vmem>> -> memref<1x4096xf32, #tpu.memory_space<vmem>>
      %dma_wait3A_274 = tpu.memref_squeeze %dma_wait3A_273 : memref<1x4096xf32, #tpu.memory_space<vmem>> -> memref<4096xf32, #tpu.memory_space<vmem>>
      tpu.wait_dma2 semaphore(%arg9 : memref<!tpu.dma_semaphore, #tpu.memory_space<semaphore_mem>>) src(%dma_wait3A_274 : memref<4096xf32, #tpu.memory_space<vmem>>) dst(%dma_wait3A_271 : memref<4096xf32, #tpu.memory_space<hbm>>)
      %dma_wait3A_275 = arith.constant 1 : i32
      %dma_wait3A_276 = arith.constant 0 : i32
      %dma_wait3A_277 = tpu.memref_slice %arg7[%dma_wait3A_275, %dma_wait3A_276] : memref<2x4096xf32, #tpu.memory_space<vmem>> -> memref<1x4096xf32, #tpu.memory_space<vmem>>
      %dma_wait3A_278 = tpu.memref_squeeze %dma_wait3A_277 : memref<1x4096xf32, #tpu.memory_space<vmem>> -> memref<4096xf32, #tpu.memory_space<vmem>>
      %dma_wait3A_279 = arith.constant 12288 : i32
      %dma_wait3A_280 = tpu.memref_slice %arg4[%add3A_9, %add3A_151, %dma_wait3A_279] : memref<26x64x16384xf32, #tpu.memory_space<hbm>> -> memref<1x1x4096xf32, #tpu.memory_space<hbm>>
      %dma_wait3A_281 = tpu.memref_squeeze %dma_wait3A_280 : memref<1x1x4096xf32, #tpu.memory_space<hbm>> -> memref<4096xf32, #tpu.memory_space<hbm>>
      %dma_wait3A_282 = arith.constant 12288 : i32
      %dma_wait3A_283 = tpu.memref_slice %arg4[%add3A_9, %add3A_151, %dma_wait3A_282] : memref<26x64x16384xf32, #tpu.memory_space<hbm>> -> memref<1x1x4096xf32, #tpu.memory_space<hbm>>
      %dma_wait3A_284 = tpu.memref_squeeze %dma_wait3A_283 : memref<1x1x4096xf32, #tpu.memory_space<hbm>> -> memref<4096xf32, #tpu.memory_space<hbm>>
      %dma_wait3A_285 = arith.constant 0 : i32
      %dma_wait3A_286 = tpu.memref_slice %arg7[%dma_wait3A_275, %dma_wait3A_285] : memref<2x4096xf32, #tpu.memory_space<vmem>> -> memref<1x4096xf32, #tpu.memory_space<vmem>>
      %dma_wait3A_287 = tpu.memref_squeeze %dma_wait3A_286 : memref<1x4096xf32, #tpu.memory_space<vmem>> -> memref<4096xf32, #tpu.memory_space<vmem>>
      tpu.wait_dma2 semaphore(%arg9 : memref<!tpu.dma_semaphore, #tpu.memory_space<semaphore_mem>>) src(%dma_wait3A_287 : memref<4096xf32, #tpu.memory_space<vmem>>) dst(%dma_wait3A_284 : memref<4096xf32, #tpu.memory_space<hbm>>)
    }
    %scan3A_4 = arith.constant 26 : i32
    return
  }
}

module attributes {stable_mosaic.version = 14 : i64} {
  func.func @_tc_proj_body(%arg0: i32, %arg1: memref<26x64x2048xf32, #tpu.memory_space<vmem>>, %arg2: memref<2048x13xf32, #tpu.memory_space<vmem>>, %arg3: memref<13x64xf32, #tpu.memory_space<vmem>>, %arg4: memref<13x64xf32, #tpu.memory_space<vmem>>, %arg5: memref<1728x64xf32, #tpu.memory_space<vmem>>, %arg6: memref<1x64xf32, #tpu.memory_space<vmem>>, %arg7: memref<2048x64xf32, #tpu.memory_space<vmem>>) attributes {dimension_semantics = [#tpu.dimension_semantics<arbitrary>], iteration_bounds = array<i64: 8>, scalar_prefetch = 0 : i64, scratch_operands = 0 : i64, tpu.core_type = #tpu.core_type<tc>, window_params = [{transform_indices = @transform_0, window_bounds = array<i64: 26, 64, 2048>}, {transform_indices = @transform_1, window_bounds = array<i64: 2048, 13>}, {pipeline_mode = #tpu.pipeline_mode<synchronous>, transform_indices = @transform_2, window_bounds = array<i64: 13, 64>}, {pipeline_mode = #tpu.pipeline_mode<synchronous>, transform_indices = @transform_3, window_bounds = array<i64: 13, 64>}, {pipeline_mode = #tpu.pipeline_mode<synchronous>, transform_indices = @transform_4, window_bounds = array<i64: 1728, 64>}, {pipeline_mode = #tpu.pipeline_mode<synchronous>, transform_indices = @transform_5, window_bounds = array<i64: 1, 64>}, {transform_indices = @transform_6, window_bounds = array<i64: 2048, 64>}]} {
    %get3A = arith.constant 0 : index
    %get3A_0 = arith.constant 0 : index
    %get3A_1 = vector.load %arg2[%get3A, %get3A_0] : memref<2048x13xf32, #tpu.memory_space<vmem>>, vector<2048x13xf32>
    %get3A_2 = arith.constant 0 : index
    %get3A_3 = arith.constant 0 : index
    %get3A_4 = vector.load %arg3[%get3A_2, %get3A_3] : memref<13x64xf32, #tpu.memory_space<vmem>>, vector<13x64xf32>
    %dot_general3A = arith.constant dense<0.000000e+00> : vector<2048x64xf32>
    %dot_general3A_5 = tpu.matmul %get3A_1, %get3A_4, %dot_general3A {dimension_numbers = #tpu.dot_dimension_numbers<[1], [0], [0], [1], [0, 0, 1, 1], [], []>, transpose_lhs_hint = false} : vector<2048x13xf32>, vector<13x64xf32>, vector<2048x64xf32> -> vector<2048x64xf32>
    %get3A_6 = arith.constant 0 : index
    %get3A_7 = arith.constant 0 : index
    %get3A_8 = vector.load %arg4[%get3A_6, %get3A_7] : memref<13x64xf32, #tpu.memory_space<vmem>>, vector<13x64xf32>
    %reduce_sum3A = arith.constant dense<0.000000e+00> : vector<64xf32>
    %reduce_sum3A_9 = vector.multi_reduction <add>, %get3A_8, %reduce_sum3A [0] : vector<13x64xf32> to vector<64xf32>
    %broadcast_in_dim3A = vector.shape_cast %reduce_sum3A_9 : vector<64xf32> to vector<1x64xf32>
    %add3A = vector.broadcast %broadcast_in_dim3A : vector<1x64xf32> to vector<2048x64xf32>
    %add3A_10 = arith.addf %dot_general3A_5, %add3A : vector<2048x64xf32>
    %get3A_11 = arith.constant 1664 : index
    %get3A_12 = arith.constant 0 : index
    %get3A_13 = vector.load %arg5[%get3A_11, %get3A_12] : memref<1728x64xf32, #tpu.memory_space<vmem>>, vector<64x64xf32>
    %dot_general3A_14 = arith.constant dense<0.000000e+00> : vector<2048x64xf32>
    %dot_general3A_15 = tpu.matmul %add3A_10, %get3A_13, %dot_general3A_14 {dimension_numbers = #tpu.dot_dimension_numbers<[1], [0], [0], [1], [0, 0, 1, 1], [], []>, transpose_lhs_hint = false} : vector<2048x64xf32>, vector<64x64xf32>, vector<2048x64xf32> -> vector<2048x64xf32>
    %get3A_16 = arith.constant 0 : index
    %get3A_17 = arith.constant 0 : index
    %get3A_18 = arith.constant 0 : index
    %get3A_19 = vector.load %arg1[%get3A_16, %get3A_17, %get3A_18] : memref<26x64x2048xf32, #tpu.memory_space<vmem>>, vector<1x64x2048xf32>
    %get3A_20 = vector.shape_cast %get3A_19 : vector<1x64x2048xf32> to vector<64x2048xf32>
    %get3A_21 = arith.constant 0 : index
    %get3A_22 = arith.constant 0 : index
    %get3A_23 = vector.load %arg5[%get3A_21, %get3A_22] : memref<1728x64xf32, #tpu.memory_space<vmem>>, vector<64x64xf32>
    %dot_general3A_24 = arith.constant dense<0.000000e+00> : vector<2048x64xf32>
    %dot_general3A_25 = tpu.matmul %get3A_20, %get3A_23, %dot_general3A_24 {dimension_numbers = #tpu.dot_dimension_numbers<[0], [0], [1], [1], [0, 1, 1, 1], [], []>, transpose_lhs_hint = false} : vector<64x2048xf32>, vector<64x64xf32>, vector<2048x64xf32> -> vector<2048x64xf32>
    %add3A_26 = arith.addf %dot_general3A_15, %dot_general3A_25 : vector<2048x64xf32>
    %get3A_27 = arith.constant 1 : index
    %get3A_28 = arith.constant 0 : index
    %get3A_29 = arith.constant 0 : index
    %get3A_30 = vector.load %arg1[%get3A_27, %get3A_28, %get3A_29] : memref<26x64x2048xf32, #tpu.memory_space<vmem>>, vector<1x64x2048xf32>
    %get3A_31 = vector.shape_cast %get3A_30 : vector<1x64x2048xf32> to vector<64x2048xf32>
    %get3A_32 = arith.constant 64 : index
    %get3A_33 = arith.constant 0 : index
    %get3A_34 = vector.load %arg5[%get3A_32, %get3A_33] : memref<1728x64xf32, #tpu.memory_space<vmem>>, vector<64x64xf32>
    %dot_general3A_35 = arith.constant dense<0.000000e+00> : vector<2048x64xf32>
    %dot_general3A_36 = tpu.matmul %get3A_31, %get3A_34, %dot_general3A_35 {dimension_numbers = #tpu.dot_dimension_numbers<[0], [0], [1], [1], [0, 1, 1, 1], [], []>, transpose_lhs_hint = false} : vector<64x2048xf32>, vector<64x64xf32>, vector<2048x64xf32> -> vector<2048x64xf32>
    %add3A_37 = arith.addf %add3A_26, %dot_general3A_36 : vector<2048x64xf32>
    %get3A_38 = arith.constant 2 : index
    %get3A_39 = arith.constant 0 : index
    %get3A_40 = arith.constant 0 : index
    %get3A_41 = vector.load %arg1[%get3A_38, %get3A_39, %get3A_40] : memref<26x64x2048xf32, #tpu.memory_space<vmem>>, vector<1x64x2048xf32>
    %get3A_42 = vector.shape_cast %get3A_41 : vector<1x64x2048xf32> to vector<64x2048xf32>
    %get3A_43 = arith.constant 128 : index
    %get3A_44 = arith.constant 0 : index
    %get3A_45 = vector.load %arg5[%get3A_43, %get3A_44] : memref<1728x64xf32, #tpu.memory_space<vmem>>, vector<64x64xf32>
    %dot_general3A_46 = arith.constant dense<0.000000e+00> : vector<2048x64xf32>
    %dot_general3A_47 = tpu.matmul %get3A_42, %get3A_45, %dot_general3A_46 {dimension_numbers = #tpu.dot_dimension_numbers<[0], [0], [1], [1], [0, 1, 1, 1], [], []>, transpose_lhs_hint = false} : vector<64x2048xf32>, vector<64x64xf32>, vector<2048x64xf32> -> vector<2048x64xf32>
    %add3A_48 = arith.addf %add3A_37, %dot_general3A_47 : vector<2048x64xf32>
    %get3A_49 = arith.constant 3 : index
    %get3A_50 = arith.constant 0 : index
    %get3A_51 = arith.constant 0 : index
    %get3A_52 = vector.load %arg1[%get3A_49, %get3A_50, %get3A_51] : memref<26x64x2048xf32, #tpu.memory_space<vmem>>, vector<1x64x2048xf32>
    %get3A_53 = vector.shape_cast %get3A_52 : vector<1x64x2048xf32> to vector<64x2048xf32>
    %get3A_54 = arith.constant 192 : index
    %get3A_55 = arith.constant 0 : index
    %get3A_56 = vector.load %arg5[%get3A_54, %get3A_55] : memref<1728x64xf32, #tpu.memory_space<vmem>>, vector<64x64xf32>
    %dot_general3A_57 = arith.constant dense<0.000000e+00> : vector<2048x64xf32>
    %dot_general3A_58 = tpu.matmul %get3A_53, %get3A_56, %dot_general3A_57 {dimension_numbers = #tpu.dot_dimension_numbers<[0], [0], [1], [1], [0, 1, 1, 1], [], []>, transpose_lhs_hint = false} : vector<64x2048xf32>, vector<64x64xf32>, vector<2048x64xf32> -> vector<2048x64xf32>
    %add3A_59 = arith.addf %add3A_48, %dot_general3A_58 : vector<2048x64xf32>
    %get3A_60 = arith.constant 4 : index
    %get3A_61 = arith.constant 0 : index
    %get3A_62 = arith.constant 0 : index
    %get3A_63 = vector.load %arg1[%get3A_60, %get3A_61, %get3A_62] : memref<26x64x2048xf32, #tpu.memory_space<vmem>>, vector<1x64x2048xf32>
    %get3A_64 = vector.shape_cast %get3A_63 : vector<1x64x2048xf32> to vector<64x2048xf32>
    %get3A_65 = arith.constant 256 : index
    %get3A_66 = arith.constant 0 : index
    %get3A_67 = vector.load %arg5[%get3A_65, %get3A_66] : memref<1728x64xf32, #tpu.memory_space<vmem>>, vector<64x64xf32>
    %dot_general3A_68 = arith.constant dense<0.000000e+00> : vector<2048x64xf32>
    %dot_general3A_69 = tpu.matmul %get3A_64, %get3A_67, %dot_general3A_68 {dimension_numbers = #tpu.dot_dimension_numbers<[0], [0], [1], [1], [0, 1, 1, 1], [], []>, transpose_lhs_hint = false} : vector<64x2048xf32>, vector<64x64xf32>, vector<2048x64xf32> -> vector<2048x64xf32>
    %add3A_70 = arith.addf %add3A_59, %dot_general3A_69 : vector<2048x64xf32>
    %get3A_71 = arith.constant 5 : index
    %get3A_72 = arith.constant 0 : index
    %get3A_73 = arith.constant 0 : index
    %get3A_74 = vector.load %arg1[%get3A_71, %get3A_72, %get3A_73] : memref<26x64x2048xf32, #tpu.memory_space<vmem>>, vector<1x64x2048xf32>
    %get3A_75 = vector.shape_cast %get3A_74 : vector<1x64x2048xf32> to vector<64x2048xf32>
    %get3A_76 = arith.constant 320 : index
    %get3A_77 = arith.constant 0 : index
    %get3A_78 = vector.load %arg5[%get3A_76, %get3A_77] : memref<1728x64xf32, #tpu.memory_space<vmem>>, vector<64x64xf32>
    %dot_general3A_79 = arith.constant dense<0.000000e+00> : vector<2048x64xf32>
    %dot_general3A_80 = tpu.matmul %get3A_75, %get3A_78, %dot_general3A_79 {dimension_numbers = #tpu.dot_dimension_numbers<[0], [0], [1], [1], [0, 1, 1, 1], [], []>, transpose_lhs_hint = false} : vector<64x2048xf32>, vector<64x64xf32>, vector<2048x64xf32> -> vector<2048x64xf32>
    %add3A_81 = arith.addf %add3A_70, %dot_general3A_80 : vector<2048x64xf32>
    %get3A_82 = arith.constant 6 : index
    %get3A_83 = arith.constant 0 : index
    %get3A_84 = arith.constant 0 : index
    %get3A_85 = vector.load %arg1[%get3A_82, %get3A_83, %get3A_84] : memref<26x64x2048xf32, #tpu.memory_space<vmem>>, vector<1x64x2048xf32>
    %get3A_86 = vector.shape_cast %get3A_85 : vector<1x64x2048xf32> to vector<64x2048xf32>
    %get3A_87 = arith.constant 384 : index
    %get3A_88 = arith.constant 0 : index
    %get3A_89 = vector.load %arg5[%get3A_87, %get3A_88] : memref<1728x64xf32, #tpu.memory_space<vmem>>, vector<64x64xf32>
    %dot_general3A_90 = arith.constant dense<0.000000e+00> : vector<2048x64xf32>
    %dot_general3A_91 = tpu.matmul %get3A_86, %get3A_89, %dot_general3A_90 {dimension_numbers = #tpu.dot_dimension_numbers<[0], [0], [1], [1], [0, 1, 1, 1], [], []>, transpose_lhs_hint = false} : vector<64x2048xf32>, vector<64x64xf32>, vector<2048x64xf32> -> vector<2048x64xf32>
    %add3A_92 = arith.addf %add3A_81, %dot_general3A_91 : vector<2048x64xf32>
    %get3A_93 = arith.constant 7 : index
    %get3A_94 = arith.constant 0 : index
    %get3A_95 = arith.constant 0 : index
    %get3A_96 = vector.load %arg1[%get3A_93, %get3A_94, %get3A_95] : memref<26x64x2048xf32, #tpu.memory_space<vmem>>, vector<1x64x2048xf32>
    %get3A_97 = vector.shape_cast %get3A_96 : vector<1x64x2048xf32> to vector<64x2048xf32>
    %get3A_98 = arith.constant 448 : index
    %get3A_99 = arith.constant 0 : index
    %get3A_100 = vector.load %arg5[%get3A_98, %get3A_99] : memref<1728x64xf32, #tpu.memory_space<vmem>>, vector<64x64xf32>
    %dot_general3A_101 = arith.constant dense<0.000000e+00> : vector<2048x64xf32>
    %dot_general3A_102 = tpu.matmul %get3A_97, %get3A_100, %dot_general3A_101 {dimension_numbers = #tpu.dot_dimension_numbers<[0], [0], [1], [1], [0, 1, 1, 1], [], []>, transpose_lhs_hint = false} : vector<64x2048xf32>, vector<64x64xf32>, vector<2048x64xf32> -> vector<2048x64xf32>
    %add3A_103 = arith.addf %add3A_92, %dot_general3A_102 : vector<2048x64xf32>
    %get3A_104 = arith.constant 8 : index
    %get3A_105 = arith.constant 0 : index
    %get3A_106 = arith.constant 0 : index
    %get3A_107 = vector.load %arg1[%get3A_104, %get3A_105, %get3A_106] : memref<26x64x2048xf32, #tpu.memory_space<vmem>>, vector<1x64x2048xf32>
    %get3A_108 = vector.shape_cast %get3A_107 : vector<1x64x2048xf32> to vector<64x2048xf32>
    %get3A_109 = arith.constant 512 : index
    %get3A_110 = arith.constant 0 : index
    %get3A_111 = vector.load %arg5[%get3A_109, %get3A_110] : memref<1728x64xf32, #tpu.memory_space<vmem>>, vector<64x64xf32>
    %dot_general3A_112 = arith.constant dense<0.000000e+00> : vector<2048x64xf32>
    %dot_general3A_113 = tpu.matmul %get3A_108, %get3A_111, %dot_general3A_112 {dimension_numbers = #tpu.dot_dimension_numbers<[0], [0], [1], [1], [0, 1, 1, 1], [], []>, transpose_lhs_hint = false} : vector<64x2048xf32>, vector<64x64xf32>, vector<2048x64xf32> -> vector<2048x64xf32>
    %add3A_114 = arith.addf %add3A_103, %dot_general3A_113 : vector<2048x64xf32>
    %get3A_115 = arith.constant 9 : index
    %get3A_116 = arith.constant 0 : index
    %get3A_117 = arith.constant 0 : index
    %get3A_118 = vector.load %arg1[%get3A_115, %get3A_116, %get3A_117] : memref<26x64x2048xf32, #tpu.memory_space<vmem>>, vector<1x64x2048xf32>
    %get3A_119 = vector.shape_cast %get3A_118 : vector<1x64x2048xf32> to vector<64x2048xf32>
    %get3A_120 = arith.constant 576 : index
    %get3A_121 = arith.constant 0 : index
    %get3A_122 = vector.load %arg5[%get3A_120, %get3A_121] : memref<1728x64xf32, #tpu.memory_space<vmem>>, vector<64x64xf32>
    %dot_general3A_123 = arith.constant dense<0.000000e+00> : vector<2048x64xf32>
    %dot_general3A_124 = tpu.matmul %get3A_119, %get3A_122, %dot_general3A_123 {dimension_numbers = #tpu.dot_dimension_numbers<[0], [0], [1], [1], [0, 1, 1, 1], [], []>, transpose_lhs_hint = false} : vector<64x2048xf32>, vector<64x64xf32>, vector<2048x64xf32> -> vector<2048x64xf32>
    %add3A_125 = arith.addf %add3A_114, %dot_general3A_124 : vector<2048x64xf32>
    %get3A_126 = arith.constant 10 : index
    %get3A_127 = arith.constant 0 : index
    %get3A_128 = arith.constant 0 : index
    %get3A_129 = vector.load %arg1[%get3A_126, %get3A_127, %get3A_128] : memref<26x64x2048xf32, #tpu.memory_space<vmem>>, vector<1x64x2048xf32>
    %get3A_130 = vector.shape_cast %get3A_129 : vector<1x64x2048xf32> to vector<64x2048xf32>
    %get3A_131 = arith.constant 640 : index
    %get3A_132 = arith.constant 0 : index
    %get3A_133 = vector.load %arg5[%get3A_131, %get3A_132] : memref<1728x64xf32, #tpu.memory_space<vmem>>, vector<64x64xf32>
    %dot_general3A_134 = arith.constant dense<0.000000e+00> : vector<2048x64xf32>
    %dot_general3A_135 = tpu.matmul %get3A_130, %get3A_133, %dot_general3A_134 {dimension_numbers = #tpu.dot_dimension_numbers<[0], [0], [1], [1], [0, 1, 1, 1], [], []>, transpose_lhs_hint = false} : vector<64x2048xf32>, vector<64x64xf32>, vector<2048x64xf32> -> vector<2048x64xf32>
    %add3A_136 = arith.addf %add3A_125, %dot_general3A_135 : vector<2048x64xf32>
    %get3A_137 = arith.constant 11 : index
    %get3A_138 = arith.constant 0 : index
    %get3A_139 = arith.constant 0 : index
    %get3A_140 = vector.load %arg1[%get3A_137, %get3A_138, %get3A_139] : memref<26x64x2048xf32, #tpu.memory_space<vmem>>, vector<1x64x2048xf32>
    %get3A_141 = vector.shape_cast %get3A_140 : vector<1x64x2048xf32> to vector<64x2048xf32>
    %get3A_142 = arith.constant 704 : index
    %get3A_143 = arith.constant 0 : index
    %get3A_144 = vector.load %arg5[%get3A_142, %get3A_143] : memref<1728x64xf32, #tpu.memory_space<vmem>>, vector<64x64xf32>
    %dot_general3A_145 = arith.constant dense<0.000000e+00> : vector<2048x64xf32>
    %dot_general3A_146 = tpu.matmul %get3A_141, %get3A_144, %dot_general3A_145 {dimension_numbers = #tpu.dot_dimension_numbers<[0], [0], [1], [1], [0, 1, 1, 1], [], []>, transpose_lhs_hint = false} : vector<64x2048xf32>, vector<64x64xf32>, vector<2048x64xf32> -> vector<2048x64xf32>
    %add3A_147 = arith.addf %add3A_136, %dot_general3A_146 : vector<2048x64xf32>
    %get3A_148 = arith.constant 12 : index
    %get3A_149 = arith.constant 0 : index
    %get3A_150 = arith.constant 0 : index
    %get3A_151 = vector.load %arg1[%get3A_148, %get3A_149, %get3A_150] : memref<26x64x2048xf32, #tpu.memory_space<vmem>>, vector<1x64x2048xf32>
    %get3A_152 = vector.shape_cast %get3A_151 : vector<1x64x2048xf32> to vector<64x2048xf32>
    %get3A_153 = arith.constant 768 : index
    %get3A_154 = arith.constant 0 : index
    %get3A_155 = vector.load %arg5[%get3A_153, %get3A_154] : memref<1728x64xf32, #tpu.memory_space<vmem>>, vector<64x64xf32>
    %dot_general3A_156 = arith.constant dense<0.000000e+00> : vector<2048x64xf32>
    %dot_general3A_157 = tpu.matmul %get3A_152, %get3A_155, %dot_general3A_156 {dimension_numbers = #tpu.dot_dimension_numbers<[0], [0], [1], [1], [0, 1, 1, 1], [], []>, transpose_lhs_hint = false} : vector<64x2048xf32>, vector<64x64xf32>, vector<2048x64xf32> -> vector<2048x64xf32>
    %add3A_158 = arith.addf %add3A_147, %dot_general3A_157 : vector<2048x64xf32>
    %get3A_159 = arith.constant 13 : index
    %get3A_160 = arith.constant 0 : index
    %get3A_161 = arith.constant 0 : index
    %get3A_162 = vector.load %arg1[%get3A_159, %get3A_160, %get3A_161] : memref<26x64x2048xf32, #tpu.memory_space<vmem>>, vector<1x64x2048xf32>
    %get3A_163 = vector.shape_cast %get3A_162 : vector<1x64x2048xf32> to vector<64x2048xf32>
    %get3A_164 = arith.constant 832 : index
    %get3A_165 = arith.constant 0 : index
    %get3A_166 = vector.load %arg5[%get3A_164, %get3A_165] : memref<1728x64xf32, #tpu.memory_space<vmem>>, vector<64x64xf32>
    %dot_general3A_167 = arith.constant dense<0.000000e+00> : vector<2048x64xf32>
    %dot_general3A_168 = tpu.matmul %get3A_163, %get3A_166, %dot_general3A_167 {dimension_numbers = #tpu.dot_dimension_numbers<[0], [0], [1], [1], [0, 1, 1, 1], [], []>, transpose_lhs_hint = false} : vector<64x2048xf32>, vector<64x64xf32>, vector<2048x64xf32> -> vector<2048x64xf32>
    %add3A_169 = arith.addf %add3A_158, %dot_general3A_168 : vector<2048x64xf32>
    %get3A_170 = arith.constant 14 : index
    %get3A_171 = arith.constant 0 : index
    %get3A_172 = arith.constant 0 : index
    %get3A_173 = vector.load %arg1[%get3A_170, %get3A_171, %get3A_172] : memref<26x64x2048xf32, #tpu.memory_space<vmem>>, vector<1x64x2048xf32>
    %get3A_174 = vector.shape_cast %get3A_173 : vector<1x64x2048xf32> to vector<64x2048xf32>
    %get3A_175 = arith.constant 896 : index
    %get3A_176 = arith.constant 0 : index
    %get3A_177 = vector.load %arg5[%get3A_175, %get3A_176] : memref<1728x64xf32, #tpu.memory_space<vmem>>, vector<64x64xf32>
    %dot_general3A_178 = arith.constant dense<0.000000e+00> : vector<2048x64xf32>
    %dot_general3A_179 = tpu.matmul %get3A_174, %get3A_177, %dot_general3A_178 {dimension_numbers = #tpu.dot_dimension_numbers<[0], [0], [1], [1], [0, 1, 1, 1], [], []>, transpose_lhs_hint = false} : vector<64x2048xf32>, vector<64x64xf32>, vector<2048x64xf32> -> vector<2048x64xf32>
    %add3A_180 = arith.addf %add3A_169, %dot_general3A_179 : vector<2048x64xf32>
    %get3A_181 = arith.constant 15 : index
    %get3A_182 = arith.constant 0 : index
    %get3A_183 = arith.constant 0 : index
    %get3A_184 = vector.load %arg1[%get3A_181, %get3A_182, %get3A_183] : memref<26x64x2048xf32, #tpu.memory_space<vmem>>, vector<1x64x2048xf32>
    %get3A_185 = vector.shape_cast %get3A_184 : vector<1x64x2048xf32> to vector<64x2048xf32>
    %get3A_186 = arith.constant 960 : index
    %get3A_187 = arith.constant 0 : index
    %get3A_188 = vector.load %arg5[%get3A_186, %get3A_187] : memref<1728x64xf32, #tpu.memory_space<vmem>>, vector<64x64xf32>
    %dot_general3A_189 = arith.constant dense<0.000000e+00> : vector<2048x64xf32>
    %dot_general3A_190 = tpu.matmul %get3A_185, %get3A_188, %dot_general3A_189 {dimension_numbers = #tpu.dot_dimension_numbers<[0], [0], [1], [1], [0, 1, 1, 1], [], []>, transpose_lhs_hint = false} : vector<64x2048xf32>, vector<64x64xf32>, vector<2048x64xf32> -> vector<2048x64xf32>
    %add3A_191 = arith.addf %add3A_180, %dot_general3A_190 : vector<2048x64xf32>
    %get3A_192 = arith.constant 16 : index
    %get3A_193 = arith.constant 0 : index
    %get3A_194 = arith.constant 0 : index
    %get3A_195 = vector.load %arg1[%get3A_192, %get3A_193, %get3A_194] : memref<26x64x2048xf32, #tpu.memory_space<vmem>>, vector<1x64x2048xf32>
    %get3A_196 = vector.shape_cast %get3A_195 : vector<1x64x2048xf32> to vector<64x2048xf32>
    %get3A_197 = arith.constant 1024 : index
    %get3A_198 = arith.constant 0 : index
    %get3A_199 = vector.load %arg5[%get3A_197, %get3A_198] : memref<1728x64xf32, #tpu.memory_space<vmem>>, vector<64x64xf32>
    %dot_general3A_200 = arith.constant dense<0.000000e+00> : vector<2048x64xf32>
    %dot_general3A_201 = tpu.matmul %get3A_196, %get3A_199, %dot_general3A_200 {dimension_numbers = #tpu.dot_dimension_numbers<[0], [0], [1], [1], [0, 1, 1, 1], [], []>, transpose_lhs_hint = false} : vector<64x2048xf32>, vector<64x64xf32>, vector<2048x64xf32> -> vector<2048x64xf32>
    %add3A_202 = arith.addf %add3A_191, %dot_general3A_201 : vector<2048x64xf32>
    %get3A_203 = arith.constant 17 : index
    %get3A_204 = arith.constant 0 : index
    %get3A_205 = arith.constant 0 : index
    %get3A_206 = vector.load %arg1[%get3A_203, %get3A_204, %get3A_205] : memref<26x64x2048xf32, #tpu.memory_space<vmem>>, vector<1x64x2048xf32>
    %get3A_207 = vector.shape_cast %get3A_206 : vector<1x64x2048xf32> to vector<64x2048xf32>
    %get3A_208 = arith.constant 1088 : index
    %get3A_209 = arith.constant 0 : index
    %get3A_210 = vector.load %arg5[%get3A_208, %get3A_209] : memref<1728x64xf32, #tpu.memory_space<vmem>>, vector<64x64xf32>
    %dot_general3A_211 = arith.constant dense<0.000000e+00> : vector<2048x64xf32>
    %dot_general3A_212 = tpu.matmul %get3A_207, %get3A_210, %dot_general3A_211 {dimension_numbers = #tpu.dot_dimension_numbers<[0], [0], [1], [1], [0, 1, 1, 1], [], []>, transpose_lhs_hint = false} : vector<64x2048xf32>, vector<64x64xf32>, vector<2048x64xf32> -> vector<2048x64xf32>
    %add3A_213 = arith.addf %add3A_202, %dot_general3A_212 : vector<2048x64xf32>
    %get3A_214 = arith.constant 18 : index
    %get3A_215 = arith.constant 0 : index
    %get3A_216 = arith.constant 0 : index
    %get3A_217 = vector.load %arg1[%get3A_214, %get3A_215, %get3A_216] : memref<26x64x2048xf32, #tpu.memory_space<vmem>>, vector<1x64x2048xf32>
    %get3A_218 = vector.shape_cast %get3A_217 : vector<1x64x2048xf32> to vector<64x2048xf32>
    %get3A_219 = arith.constant 1152 : index
    %get3A_220 = arith.constant 0 : index
    %get3A_221 = vector.load %arg5[%get3A_219, %get3A_220] : memref<1728x64xf32, #tpu.memory_space<vmem>>, vector<64x64xf32>
    %dot_general3A_222 = arith.constant dense<0.000000e+00> : vector<2048x64xf32>
    %dot_general3A_223 = tpu.matmul %get3A_218, %get3A_221, %dot_general3A_222 {dimension_numbers = #tpu.dot_dimension_numbers<[0], [0], [1], [1], [0, 1, 1, 1], [], []>, transpose_lhs_hint = false} : vector<64x2048xf32>, vector<64x64xf32>, vector<2048x64xf32> -> vector<2048x64xf32>
    %add3A_224 = arith.addf %add3A_213, %dot_general3A_223 : vector<2048x64xf32>
    %get3A_225 = arith.constant 19 : index
    %get3A_226 = arith.constant 0 : index
    %get3A_227 = arith.constant 0 : index
    %get3A_228 = vector.load %arg1[%get3A_225, %get3A_226, %get3A_227] : memref<26x64x2048xf32, #tpu.memory_space<vmem>>, vector<1x64x2048xf32>
    %get3A_229 = vector.shape_cast %get3A_228 : vector<1x64x2048xf32> to vector<64x2048xf32>
    %get3A_230 = arith.constant 1216 : index
    %get3A_231 = arith.constant 0 : index
    %get3A_232 = vector.load %arg5[%get3A_230, %get3A_231] : memref<1728x64xf32, #tpu.memory_space<vmem>>, vector<64x64xf32>
    %dot_general3A_233 = arith.constant dense<0.000000e+00> : vector<2048x64xf32>
    %dot_general3A_234 = tpu.matmul %get3A_229, %get3A_232, %dot_general3A_233 {dimension_numbers = #tpu.dot_dimension_numbers<[0], [0], [1], [1], [0, 1, 1, 1], [], []>, transpose_lhs_hint = false} : vector<64x2048xf32>, vector<64x64xf32>, vector<2048x64xf32> -> vector<2048x64xf32>
    %add3A_235 = arith.addf %add3A_224, %dot_general3A_234 : vector<2048x64xf32>
    %get3A_236 = arith.constant 20 : index
    %get3A_237 = arith.constant 0 : index
    %get3A_238 = arith.constant 0 : index
    %get3A_239 = vector.load %arg1[%get3A_236, %get3A_237, %get3A_238] : memref<26x64x2048xf32, #tpu.memory_space<vmem>>, vector<1x64x2048xf32>
    %get3A_240 = vector.shape_cast %get3A_239 : vector<1x64x2048xf32> to vector<64x2048xf32>
    %get3A_241 = arith.constant 1280 : index
    %get3A_242 = arith.constant 0 : index
    %get3A_243 = vector.load %arg5[%get3A_241, %get3A_242] : memref<1728x64xf32, #tpu.memory_space<vmem>>, vector<64x64xf32>
    %dot_general3A_244 = arith.constant dense<0.000000e+00> : vector<2048x64xf32>
    %dot_general3A_245 = tpu.matmul %get3A_240, %get3A_243, %dot_general3A_244 {dimension_numbers = #tpu.dot_dimension_numbers<[0], [0], [1], [1], [0, 1, 1, 1], [], []>, transpose_lhs_hint = false} : vector<64x2048xf32>, vector<64x64xf32>, vector<2048x64xf32> -> vector<2048x64xf32>
    %add3A_246 = arith.addf %add3A_235, %dot_general3A_245 : vector<2048x64xf32>
    %get3A_247 = arith.constant 21 : index
    %get3A_248 = arith.constant 0 : index
    %get3A_249 = arith.constant 0 : index
    %get3A_250 = vector.load %arg1[%get3A_247, %get3A_248, %get3A_249] : memref<26x64x2048xf32, #tpu.memory_space<vmem>>, vector<1x64x2048xf32>
    %get3A_251 = vector.shape_cast %get3A_250 : vector<1x64x2048xf32> to vector<64x2048xf32>
    %get3A_252 = arith.constant 1344 : index
    %get3A_253 = arith.constant 0 : index
    %get3A_254 = vector.load %arg5[%get3A_252, %get3A_253] : memref<1728x64xf32, #tpu.memory_space<vmem>>, vector<64x64xf32>
    %dot_general3A_255 = arith.constant dense<0.000000e+00> : vector<2048x64xf32>
    %dot_general3A_256 = tpu.matmul %get3A_251, %get3A_254, %dot_general3A_255 {dimension_numbers = #tpu.dot_dimension_numbers<[0], [0], [1], [1], [0, 1, 1, 1], [], []>, transpose_lhs_hint = false} : vector<64x2048xf32>, vector<64x64xf32>, vector<2048x64xf32> -> vector<2048x64xf32>
    %add3A_257 = arith.addf %add3A_246, %dot_general3A_256 : vector<2048x64xf32>
    %get3A_258 = arith.constant 22 : index
    %get3A_259 = arith.constant 0 : index
    %get3A_260 = arith.constant 0 : index
    %get3A_261 = vector.load %arg1[%get3A_258, %get3A_259, %get3A_260] : memref<26x64x2048xf32, #tpu.memory_space<vmem>>, vector<1x64x2048xf32>
    %get3A_262 = vector.shape_cast %get3A_261 : vector<1x64x2048xf32> to vector<64x2048xf32>
    %get3A_263 = arith.constant 1408 : index
    %get3A_264 = arith.constant 0 : index
    %get3A_265 = vector.load %arg5[%get3A_263, %get3A_264] : memref<1728x64xf32, #tpu.memory_space<vmem>>, vector<64x64xf32>
    %dot_general3A_266 = arith.constant dense<0.000000e+00> : vector<2048x64xf32>
    %dot_general3A_267 = tpu.matmul %get3A_262, %get3A_265, %dot_general3A_266 {dimension_numbers = #tpu.dot_dimension_numbers<[0], [0], [1], [1], [0, 1, 1, 1], [], []>, transpose_lhs_hint = false} : vector<64x2048xf32>, vector<64x64xf32>, vector<2048x64xf32> -> vector<2048x64xf32>
    %add3A_268 = arith.addf %add3A_257, %dot_general3A_267 : vector<2048x64xf32>
    %get3A_269 = arith.constant 23 : index
    %get3A_270 = arith.constant 0 : index
    %get3A_271 = arith.constant 0 : index
    %get3A_272 = vector.load %arg1[%get3A_269, %get3A_270, %get3A_271] : memref<26x64x2048xf32, #tpu.memory_space<vmem>>, vector<1x64x2048xf32>
    %get3A_273 = vector.shape_cast %get3A_272 : vector<1x64x2048xf32> to vector<64x2048xf32>
    %get3A_274 = arith.constant 1472 : index
    %get3A_275 = arith.constant 0 : index
    %get3A_276 = vector.load %arg5[%get3A_274, %get3A_275] : memref<1728x64xf32, #tpu.memory_space<vmem>>, vector<64x64xf32>
    %dot_general3A_277 = arith.constant dense<0.000000e+00> : vector<2048x64xf32>
    %dot_general3A_278 = tpu.matmul %get3A_273, %get3A_276, %dot_general3A_277 {dimension_numbers = #tpu.dot_dimension_numbers<[0], [0], [1], [1], [0, 1, 1, 1], [], []>, transpose_lhs_hint = false} : vector<64x2048xf32>, vector<64x64xf32>, vector<2048x64xf32> -> vector<2048x64xf32>
    %add3A_279 = arith.addf %add3A_268, %dot_general3A_278 : vector<2048x64xf32>
    %get3A_280 = arith.constant 24 : index
    %get3A_281 = arith.constant 0 : index
    %get3A_282 = arith.constant 0 : index
    %get3A_283 = vector.load %arg1[%get3A_280, %get3A_281, %get3A_282] : memref<26x64x2048xf32, #tpu.memory_space<vmem>>, vector<1x64x2048xf32>
    %get3A_284 = vector.shape_cast %get3A_283 : vector<1x64x2048xf32> to vector<64x2048xf32>
    %get3A_285 = arith.constant 1536 : index
    %get3A_286 = arith.constant 0 : index
    %get3A_287 = vector.load %arg5[%get3A_285, %get3A_286] : memref<1728x64xf32, #tpu.memory_space<vmem>>, vector<64x64xf32>
    %dot_general3A_288 = arith.constant dense<0.000000e+00> : vector<2048x64xf32>
    %dot_general3A_289 = tpu.matmul %get3A_284, %get3A_287, %dot_general3A_288 {dimension_numbers = #tpu.dot_dimension_numbers<[0], [0], [1], [1], [0, 1, 1, 1], [], []>, transpose_lhs_hint = false} : vector<64x2048xf32>, vector<64x64xf32>, vector<2048x64xf32> -> vector<2048x64xf32>
    %add3A_290 = arith.addf %add3A_279, %dot_general3A_289 : vector<2048x64xf32>
    %get3A_291 = arith.constant 25 : index
    %get3A_292 = arith.constant 0 : index
    %get3A_293 = arith.constant 0 : index
    %get3A_294 = vector.load %arg1[%get3A_291, %get3A_292, %get3A_293] : memref<26x64x2048xf32, #tpu.memory_space<vmem>>, vector<1x64x2048xf32>
    %get3A_295 = vector.shape_cast %get3A_294 : vector<1x64x2048xf32> to vector<64x2048xf32>
    %get3A_296 = arith.constant 1600 : index
    %get3A_297 = arith.constant 0 : index
    %get3A_298 = vector.load %arg5[%get3A_296, %get3A_297] : memref<1728x64xf32, #tpu.memory_space<vmem>>, vector<64x64xf32>
    %dot_general3A_299 = arith.constant dense<0.000000e+00> : vector<2048x64xf32>
    %dot_general3A_300 = tpu.matmul %get3A_295, %get3A_298, %dot_general3A_299 {dimension_numbers = #tpu.dot_dimension_numbers<[0], [0], [1], [1], [0, 1, 1, 1], [], []>, transpose_lhs_hint = false} : vector<64x2048xf32>, vector<64x64xf32>, vector<2048x64xf32> -> vector<2048x64xf32>
    %add3A_301 = arith.addf %add3A_290, %dot_general3A_300 : vector<2048x64xf32>
    %get3A_302 = arith.constant 0 : index
    %get3A_303 = arith.constant 0 : index
    %get3A_304 = vector.load %arg6[%get3A_302, %get3A_303] : memref<1x64xf32, #tpu.memory_space<vmem>>, vector<1x64xf32>
    %add3A_305 = vector.broadcast %get3A_304 : vector<1x64xf32> to vector<2048x64xf32>
    %add3A_306 = arith.addf %add3A_301, %add3A_305 : vector<2048x64xf32>
    %swap3A = arith.constant 0 : index
    %swap3A_307 = arith.constant 0 : index
    %swap3A_308 = vector.load %arg7[%swap3A, %swap3A_307] : memref<2048x64xf32, #tpu.memory_space<vmem>>, vector<2048x64xf32>
    tpu.vector_store %arg7[%swap3A, %swap3A_307], %add3A_306 {strides = array<i32>} : memref<2048x64xf32, #tpu.memory_space<vmem>>, vector<2048x64xf32>,
    return
  }
  func.func @transform_0(%arg0: i32) -> (i32, i32, i32) {
    %c0_i32 = arith.constant 0 : i32
    %c0_i32_0 = arith.constant 0 : i32
    %c0_i32_1 = arith.constant 0 : i32
    return %c0_i32, %c0_i32_0, %arg0 : i32, i32, i32
  }
  func.func @transform_1(%arg0: i32) -> (i32, i32) {
    %c0_i32 = arith.constant 0 : i32
    %c0_i32_0 = arith.constant 0 : i32
    return %arg0, %c0_i32 : i32, i32
  }
  func.func @transform_2(%arg0: i32) -> (i32, i32) {
    %c0_i32 = arith.constant 0 : i32
    %c0_i32_0 = arith.constant 0 : i32
    %c0_i32_1 = arith.constant 0 : i32
    return %c0_i32, %c0_i32_0 : i32, i32
  }
  func.func @transform_3(%arg0: i32) -> (i32, i32) {
    %c0_i32 = arith.constant 0 : i32
    %c0_i32_0 = arith.constant 0 : i32
    %c0_i32_1 = arith.constant 0 : i32
    return %c0_i32, %c0_i32_0 : i32, i32
  }
  func.func @transform_4(%arg0: i32) -> (i32, i32) {
    %c0_i32 = arith.constant 0 : i32
    %c0_i32_0 = arith.constant 0 : i32
    %c0_i32_1 = arith.constant 0 : i32
    return %c0_i32, %c0_i32_0 : i32, i32
  }
  func.func @transform_5(%arg0: i32) -> (i32, i32) {
    %c0_i32 = arith.constant 0 : i32
    %c0_i32_0 = arith.constant 0 : i32
    %c0_i32_1 = arith.constant 0 : i32
    return %c0_i32, %c0_i32_0 : i32, i32
  }
  func.func @transform_6(%arg0: i32) -> (i32, i32) {
    %c0_i32 = arith.constant 0 : i32
    %c0_i32_0 = arith.constant 0 : i32
    return %arg0, %c0_i32 : i32, i32
  }
}

</mosaic_0001>

<sc_bundles>
// kernel: kernel.4.cloned.1.call-start
scs
__scs_entry_jumppad:
0x0: {  	(pc) =	sbr.rel $0x88, $3  }
0x1: {  	(tag) =	ssettag $0x0;
	lr =	simm.s32 $0x1  }
0x2: {  	[smem:$0x3F9A] =	sst lr;
	_ =	strace $0xD0000000  }
0x3: {  	_ = 	snop  }
0x4: {  	_ = 	snop  }
0x5: {  	_ = 	snop  }
0x6: {  	_ = 	snop  }
0x7: {  	_ = 	snop  }
__scs_overlays_trampoline_lowered:
0x8: {  	[smem:$0x3FA9] =	sst s0  }
0x9: {  	[smem:$0x3FAA] =	sst s1  }
0xa: {  	[smem:$0x3FAB] =	sst s2  }
0xb: {  	[smem:$0x3FAC] =	sst s3  }
0xc: {  	[smem:$0x3FAD] =	sst s4  }
0xd: {  	[smem:$0x3FAE] =	sst s5  }
0xe: {  	[smem:$0x3FAF] =	sst s6  }
0xf: {  	[smem:$0x3FB0] =	sst s7  }
0x10: {  	[smem:$0x3FB1] =	sst s8  }
0x11: {  	[smem:$0x3FB2] =	sst s9;
	s0 =	simm.s32 @!p0 $0x0  }
0x12: {  	s1 =	sld [smem:$0x3F98];
	s0 =	simm.s32 @p0 $0x1  }
0x13: {  	[smem:$0x3FB3] =	sst s0;
	s0 =	simm.s32 @!p1 $0x0  }
0x14: {  	s2 =	sld [smem:$0x3F97];
	s0 =	simm.s32 @p1 $0x1  }
0x15: {  	[smem:$0x3FB4] =	sst s0;
	s0 =	simm.s32 @!p2 $0x0  }
0x16: {  	s3 =	sld [smem:$0x3FDB];
	s0 =	simm.s32 @p2 $0x1  }
0x17: {  	s4 =	simm.s32 $0x1BF5;
	[smem:$0x3FB6] =	sst s0  }
0x18: {  	s0 =	sld [smem:$0x3F99];
	_ =	swait.ge [sflag:s4], $0x0  }
0x19: {  	s7 =	sld [smem:$0x3F9A]  }
0x1a: {  	s8 =	sadd.s32 $0xFFFFE003, lr  }
0x1b: {  	s9 =	sadd.s32 $0xFFFFFEF7, lr;
	s5 =	simm.s32 $0xFFFFFFFF;
	p2 =	slt.u32 s8, $0xFFFFF086  }
0x1c: {  	p1 =	slt.u32 s9, $0xF7A;
	s5 =	simm.s32 @!p2 $0x0  }
0x1d: {  	s5 =	simm.s32 @p1 $0x1;
	p0 =	seq.s32 s7, s2  }
0x1e: {  	s7 =	smul.u32 @!p0 $0xF7A, s2;
	p2 =	seq.s32 @!p0 s5, $0x0  }
0x1f: {  	s9 =	smul.u32 $0xF7A, s1;
	s8 =	simm.s32 @!p0 $0x1BF5;
	p2 =	por !p2, p0  }
0x20: {  	[sflag:s8] =	ssyncset.s32 @!p0 $0xFFFFF086;
	s6 =	sadd.s32 @!p0 s3, s7;
	s7 =	simm.s32 @!p0 $0x108  }
0x21: {  	s3 =	sadd.s32 s3, s9;
	s6 =	sadd.s32 @!p0 $0x88, s6;
	s7 =	simm.s32 @p2 $0x1082  }
0x22: {  	[simem:s7], [sflag:s8] =	dma.local @!p0 [hbm:s6], $0xF7A  }
0x23: {  	s9 =	sor.u32 $0xD0000000, s2;
	s6 =	simm.s32 $0x108;
	_ =	swait.ge @!p0 [sflag:s8], $0x0  }
0x24: {  	s3 =	sadd.s32 $0x88, s3;
	s6 =	simm.s32 @!p1 $0x1082;
	[sflag:s4] =	ssyncset.s32 $0xFFFFF086  }
0x25: {  	[simem:s6], [sflag:s4] =	dma.local [hbm:s3], $0xF7A  }
0x26: {  	[smem:$0x3F9A] =	sst s1;
	(tag) =	ssettag s2;
	_ =	strace s9  }
0x27: {  	s1 =	sld [smem:$0x3FAA]  }
0x28: {  	s2 =	sld [smem:$0x3FAB]  }
0x29: {  	s4 =	sld [smem:$0x3FAD]  }
0x2a: {  	p0 =	seq.s32 s5, $0x0;
	s5 =	sld [smem:$0x3FAE]  }
0x2b: {  	s6 =	sld [smem:$0x3FAF]  }
0x2c: {  	s7 =	sld [smem:$0x3FB0]  }
0x2d: {  	s3 =	simm.s32 $0x108;
	s8 =	sld [smem:$0x3FB1]  }
0x2e: {  	s3 =	simm.s32 @!p0 $0x1082;
	s9 =	sld [smem:$0x3FB2]  }
0x2f: {  	lr =	sadd.s32 s0, s3;
	s0 =	sld [smem:$0x3FA9]  }
0x30: {  	s3 =	sld [smem:$0x3FAC]  }
0x31: {  	[smem:$0x3FB5] =	sst s10  }
0x32: {  	s10 =	sld [smem:$0x3FB3];
	_ =	sdelay $0x3  }
0x33: {  	p0 =	seq.s32 s10, $0x1;
	s10 =	sld [smem:$0x3FB5];
	_ =	sdelay $0x3  }
0x34: {  	[smem:$0x3FB5] =	sst s10  }
0x35: {  	s10 =	sld [smem:$0x3FB4];
	_ =	sdelay $0x3  }
0x36: {  	p1 =	seq.s32 s10, $0x1;
	s10 =	sld [smem:$0x3FB5];
	_ =	sdelay $0x3  }
0x37: {  	[smem:$0x3FB5] =	sst s10  }
0x38: {  	s10 =	sld [smem:$0x3FB6]  }
0x39: {  	_ = 	snop;
	(pc) =	sbr.ind lr, $3  }
0x3a: {  	_ = 	snop  }
0x3b: {  	_ = 	snop  }
0x3c: {  	p2 =	seq.s32 s10, $0x1;
	s10 =	sld [smem:$0x3FB5]  }
0x3d: {  	_ =	shalt  }
0x3e: {  	_ =	shalt  }
0x3f: {  	_ =	shalt  }
0x40: {  	_ =	shalt  }
0x41: {  	_ =	shalt  }
0x42: {  	_ =	shalt  }
0x43: {  	_ =	shalt  }
0x44: {  	_ =	shalt  }
0x45: {  	_ =	shalt  }
0x46: {  	_ =	shalt  }
0x47: {  	_ =	shalt  }
0x48: {  	_ =	shalt  }
0x49: {  	_ =	shalt  }
0x4a: {  	_ =	shalt  }
0x4b: {  	_ =	shalt  }
0x4c: {  	_ =	shalt  }
0x4d: {  	_ =	shalt  }
0x4e: {  	_ =	shalt  }
0x4f: {  	_ =	shalt  }
0x50: {  	_ =	shalt  }
0x51: {  	_ =	shalt  }
0x52: {  	_ =	shalt  }
0x53: {  	_ =	shalt  }
0x54: {  	_ =	shalt  }
0x55: {  	_ =	shalt  }
0x56: {  	_ =	shalt  }
0x57: {  	_ =	shalt  }
0x58: {  	_ =	shalt  }
0x59: {  	_ =	shalt  }
0x5a: {  	_ =	shalt  }
0x5b: {  	_ =	shalt  }
0x5c: {  	_ =	shalt  }
0x5d: {  	_ =	shalt  }
0x5e: {  	_ =	shalt  }
0x5f: {  	_ =	shalt  }
0x60: {  	_ =	shalt  }
0x61: {  	_ =	shalt  }
0x62: {  	_ =	shalt  }
0x63: {  	_ =	shalt  }
0x64: {  	_ =	shalt  }
0x65: {  	_ =	shalt  }
0x66: {  	_ =	shalt  }
0x67: {  	_ =	shalt  }
0x68: {  	_ =	shalt  }
0x69: {  	_ =	shalt  }
0x6a: {  	_ =	shalt  }
0x6b: {  	_ =	shalt  }
0x6c: {  	_ =	shalt  }
0x6d: {  	_ =	shalt  }
0x6e: {  	_ =	shalt  }
0x6f: {  	_ =	shalt  }
0x70: {  	_ =	shalt  }
0x71: {  	_ =	shalt  }
0x72: {  	_ =	shalt  }
0x73: {  	_ =	shalt  }
0x74: {  	_ =	shalt  }
0x75: {  	_ =	shalt  }
0x76: {  	_ =	shalt  }
0x77: {  	_ =	shalt  }
0x78: {  	_ =	shalt  }
0x79: {  	_ =	shalt  }
0x7a: {  	_ =	shalt  }
0x7b: {  	_ =	shalt  }
0x7c: {  	_ =	shalt  }
0x7d: {  	_ =	shalt  }
0x7e: {  	_ =	shalt  }
0x7f: {  	_ =	shalt  }
0x80: {  	_ =	shalt  }
0x81: {  	_ =	shalt  }
0x82: {  	_ =	shalt  }
0x83: {  	_ =	shalt  }
0x84: {  	_ =	shalt  }
0x85: {  	_ =	shalt  }
0x86: {  	_ =	shalt  }
0x87: {  	_ =	shalt  }
.Lfunc_end0:
.L_simem_size_0:
called_computation_lowered:
.L_overlay_start_0:
0x88: {  	s2 =	sld [smem:$0x3FD9]  }
0x89: {  	s3 =	sld [smem:$0x3FFE];
	_ =	sdelay $0x1  }
0x8a: {  	s1 =	srdreg.scid  }
0x8b: {  	s0 =	sand.u32 $0x1, s1  }
0x8c: {  	s17 =	sshll.u32 s0, $0xA;
	s2 =	sadd.s32 s3, s2  }
0x8d: {  	s2 =	sadd.s32 s2, s17  }
0x8e: {  	[smem:$0x3FC1] =	sst s2  }
0x8f: {  	_ = 	snop  }
0x90: {  	s2 =	sld [smem:$0x3FC9]  }
0x91: {  	s18 =	sld [smem:$0x3FC7];
	(tm) =	ssettm $0x1  }
0x92: {  	s4 =	sld [smem:$0x3FFB];
	_ =	sdelay $0x3  }
0x93: {  	_ =	strace s4  }
0x94: {  	s4 =	sld [smem:$0x3FFC];
	_ =	sdelay $0x3  }
0x95: {  	_ =	strace s4  }
0x96: {  	s4 =	sld [smem:$0x3FFD];
	_ =	sdelay $0x3  }
0x97: {  	_ =	strace s4  }
0x98: {  	_ =	strace $0x8FFFFFFF  }
0x99: {  	s19 =	sld [smem:$0x3FDB];
	_ =	sdelay $0x1  }
0x9a: {  	s5 =	simm.s32 $_scs_section_size  }
0x9b: {  	s6 =	simm.s32 $_size__tile_overlayer_lowered;
	s7 =	simm.s32 $_tile_overlayer_lowered  }
0x9c: {  	s22 =	simm.s32 $0x1BFF;
	s21 =	sshll.u32 s7, $0x1;
	s4 =	sadd.s32 s5, s19  }
0x9d: {  	s8 =	simm.s32 $0x0;
	s20 =	sshll.u32 s6, $0x1;
	s6 =	sadd.s32 s21, s4  }
0x9e: {  	[timem:s8], [sflag:s22] =	dma.local [hbm:s6], s20  }
0x9f: {  	_ =	swait.ge [sflag:s22], s20  }
0xa0: {  	s5 =	ssub.s32 $0x0, s20;
	[sflag:s22] =	ssyncset.done $0x0  }
0xa1: {  	[sflag:s22] =	ssyncadd.s32 s5;
	_ =	sdelay $0x1  }
0xa2: {  	s23 =	simm.s32 $0x1B8B  }
0xa3: {  	_ =	swait.ge [sflag:s23], $0x1  }
0xa4: {  	[sflag:s23] =	ssyncset.done $0x0  }
0xa5: {  	s25 =	simm.s32 $0x1B8E;
	s24 =	sld [smem:$0x3FFE];
	[sflag:s23] =	ssyncadd.s32 $0xFFFFFFFF  }
0xa6: {  	s26 =	simm.s32 $execute0_lowered;
	[smem:$0x3FD2] =	sst s25  }
0xa7: {  	s6 =	sshll.u32 s26, $0x1;
	_ =	strace $0x80000046;
	[dreg:$0x1] =	wrdreg $0xFFFFFFFF  }
0xa8: {  	s28 =	simm.s32 $_size_execute0_lowered;
	s4 =	sadd.s32 s4, s6;
	[dreg:$0x0] =	wrdreg $0x0  }
0xa9: {  	s6 =	sshll.u32 s28, $0x1;
	[dreg:$0x2] =	wrdreg s4  }
0xaa: {  	[dreg:$0x3] =	wrdreg s6  }
0xab: {  	[dreg:$0x4] =	wrdreg $0xC0  }
0xac: {  	_ =	task [dreg:s8], $0x5FFFF  }
0xad: {  	[dreg:$0x1] =	wrdreg $0xFFFFFFFF  }
0xae: {  	[dreg:$0x0] =	wrdreg $0x60  }
0xaf: {  	[dreg:$0x2] =	wrdreg s2  }
0xb0: {  	[dreg:$0x3] =	wrdreg s18  }
0xb1: {  	[dreg:$0x4] =	wrdreg s24  }
0xb2: {  	[dreg:$0x5] =	wrdreg $0x9  }
0xb3: {  	_ =	task.clear_ibuf [dreg:s8], $0x6FFFF;
	_ =	strace $0x90000046  }
0xb4: {  	s29 =	simm.s32 $0x9;
	_ =	strace $0x80000048  }
0xb5: {  	_ =	swait.ge [sflag:s29], $0x1  }
0xb6: {  	[sflag:s29] =	ssyncadd.s32 $0xFFFFFFFF  }
0xb7: {  	_ =	strace $0x90000048  }
0xb8: {  	_ =	sfence  }
0xb9: {  	s30 =	sld [smem:$0x0];
	_ =	sdelay $0x2  }
0xba: {  	s31 =	sshll.u32 s1, $0xD;
	s1 =	sshrl.u32 s1, $0x2  }
0xbb: {  	s3 =	sand.u32 $0x4000, s31;
	s1 =	sadd.s32 s1, s30  }
0xbc: {  	s0 =	sor.u32 s3, s0;
	s1 =	sshll.u32 s1, $0x11  }
0xbd: {  	s0 =	sor.u32 s1, s0  }
0xbe: {  	s0 =	sadd.s32 $0x8F2B, s0  }
0xbf: {  	[sflag:s0] =	ssyncadd.remote.s32 $0x1  }
0xc0: {  	_ =	sfence.sel $0xFFFF  }
0xc1: {  	[dreg:$0x0] =	wrdreg $0xFFFFFFFF;
	(pc) =	sbr.abs _section_cstart, $3  }
0xc2: {  	[dreg:$0x1] =	wrdreg $0xFFFFFFFF  }
0xc3: {  	_ =	task.clear_ibuf [dreg:s8], $0x2FFFF;
	_ =	strace $0x9FFFFFFF  }
0xc4: {  	(tm) =	ssettm $0x7FFFFFFF  }
0xc5: {  	_ =	shalt  }
tec
execute0_lowered:
.L_overlay_start_1:
0x0: {  	(tag) =	ssettag $0x1  }
0x1: {  	s1 =	rddreg [dreg:$0x0]  }
0x2: {  	s2 =	rddreg [dreg:$0x1]  }
0x3: {  	s11 =	rddreg [dreg:$0x2]  }
0x4: {  	s4 =	srdreg.scid;
	s0 =	rddreg [dreg:$0x3];
	s3 =	simm.s32 $0x0  }
0x5: {  	s14 =	simm.s32 $0x80;
	s15 =	simm.s32 $0x400;
	s16 =	simm.s32 $0x3  }
0x6: {  	s17 =	simm.s32 $0x4000;
	s18 =	simm.s32 $0x1;
	s19 =	simm.s32 $0x2  }
0x7: {  	s20 =	simm.s32 $0x0;
	s6 =	sand.u32 $0x1, s4;
	[smem:$0x7FF] =	sst s3  }
0x8: {  	s4 =	stileid.u32;
	s5 =	sadd.s32 $0xE00, s11;
	s9 =	sadd.s32 $0x1E00, s11  }
0x9: {  	s10 =	sadd.s32 $0x2E00, s11;
	s11 =	sadd.s32 $0x3E00, s11;
	s7 =	ssub.s32 $0x2, s6  }
0xa: {  	s30 =	sshll.u32 s4, $0x9;
	s6 =	sshll.u32 s6, $0x8;
	s8 =	sshrl.u32 s7, $0x1  }
0xb: {  	s31 =	sshrl.u32 s4, $0x1;
	s13 =	ssub.s32 s7, s8;
	s7 =	sand.u32 $0x200, s30  }
0xc: {  	_ =	strace $0x80000047;
	s8 =	sshll.u32 s31, $0x11;
	s6 =	sor.u32 s6, s7  }
0xd: {  	s7 =	smul.u32 $0xC3800, s31;
	s13 =	smax.u32 s13, $0x1;
	s12 =	sor.u32 $0x80, s6  }
.LBB2_1:
0xe: {  	s21 =	simm.s32 $0x0  }
.LBB2_2:
0xf: {  	s22 =	sshll.u32 s21, $0x4  }
0x10: {  	s23 =	sshll.u32 s21, $0xB;
	s22 =	sand.u32 $0x70, s22  }
0x11: {  	s23 =	sand.u32 $0xC000, s23;
	s22 =	sadd.s32 s1, s22  }
0x12: {  	s31 =	smul.u32 $0x61C000, s21;
	s22 =	sadd.s32 s23, s22  }
0x13: {  	[tilespmem:s3], [sflag:$0x3] =	stream.strided.gather [hbm4b:s22+s14], $0x4000, s15, s14, $0x38;
	[tilespmem:$0x1E700] =	vst v63  }
0x14: {  	s22 =	sadd.s32 s7, s31  }
0x15: {  	_ =	swait.ge [sflag:s16], $0x4000;
	s23 =	sor.u32 s6, s22  }
0x16: {  	[sflag:s16] =	ssyncset.done $0x0;
	s23 =	sshrl.u32 s23, $0x3  }
0x17: {  	[sflag:s16] =	ssyncadd.s32 $0xFFFFC000;
	s23 =	sadd.s32 s2, s23  }
0x18: {  	[tilespmem:s17], [sflag:$0x1] =	stream.strided.gather [hbm4b:s23+s14], $0x18700, s15, s14, $0x38;
	[tilespmem:$0x1E700] =	vst v63  }
0x19: {  	_ =	swait.ge [sflag:s18], $0x18700  }
0x1a: {  	s24 =	simm.s32 $0x40;
	[sflag:s18] =	ssyncset.done $0x0  }
0x1b: {  	s25 =	simm.s32 $0x1C740;
	s23 =	simm.s32 $0xFFFFFFF8;
	[sflag:s18] =	ssyncadd.s32 $0xFFFE7900  }
.LBB2_3:
0x1c: {  	v0 =	vld [tilespmem:s24+$0xFFFFFFC0];
	_ =	sdelay $0x7  }
0x1d: {  	v0 =	vld.idx.msk [tilespmem:v0+s17+$0x0], $0xffff;
	_ =	sdelay $0x4  }
0x1e: {  	[tilespmem:s25+$0xFFFFFFC0] =	vst v0  }
0x1f: {  	v0 =	vld [tilespmem:s24+$0xFFFFFFD0];
	_ =	sdelay $0x7  }
0x20: {  	v0 =	vld.idx.msk [tilespmem:v0+s17+$0x0], $0xffff;
	_ =	sdelay $0x4  }
0x21: {  	[tilespmem:s25+$0xFFFFFFD0] =	vst v0  }
0x22: {  	v0 =	vld [tilespmem:s24+$0xFFFFFFE0];
	_ =	sdelay $0x7  }
0x23: {  	v0 =	vld.idx.msk [tilespmem:v0+s17+$0x0], $0xffff;
	_ =	sdelay $0x4  }
0x24: {  	[tilespmem:s25+$0xFFFFFFE0] =	vst v0  }
0x25: {  	v0 =	vld [tilespmem:s24+$0xFFFFFFF0];
	_ =	sdelay $0x7  }
0x26: {  	v0 =	vld.idx.msk [tilespmem:v0+s17+$0x0], $0xffff;
	_ =	sdelay $0x4  }
0x27: {  	[tilespmem:s25+$0xFFFFFFF0] =	vst v0  }
0x28: {  	v0 =	vld [tilespmem:s24+$0x0];
	_ =	sdelay $0x7  }
0x29: {  	v0 =	vld.idx.msk [tilespmem:v0+s17+$0x0], $0xffff;
	_ =	sdelay $0x4  }
0x2a: {  	[tilespmem:s25+$0x0] =	vst v0  }
0x2b: {  	v0 =	vld [tilespmem:s24+$0x10];
	_ =	sdelay $0x7  }
0x2c: {  	v0 =	vld.idx.msk [tilespmem:v0+s17+$0x0], $0xffff;
	_ =	sdelay $0x4  }
0x2d: {  	[tilespmem:s25+$0x10] =	vst v0  }
0x2e: {  	v0 =	vld [tilespmem:s24+$0x20];
	_ =	sdelay $0x7  }
0x2f: {  	v0 =	vld.idx.msk [tilespmem:v0+s17+$0x0], $0xffff;
	_ =	sdelay $0x4  }
0x30: {  	[tilespmem:s25+$0x20] =	vst v0  }
0x31: {  	v0 =	vld [tilespmem:s24+$0x30];
	_ =	sdelay $0x6  }
0x32: {  	s23 =	sadd.s32 $0x8, s23  }
0x33: {  	p0 =	slt.u32 s23, $0xF8;
	v0 =	vld.idx.msk [tilespmem:v0+s17+$0x0], $0xffff  }
.Ltmp0:
0x34: {  	_ = 	snop;
	(pc) =	sbr.rel @p0 .LBB2_3-.Ltmp0, $2  }
0x35: {  	_ =	sdelay $0x2  }
0x36: {  	s24 =	sadd.s32 $0x80, s24;
	[tilespmem:s25+$0x30] =	vst v0;
	s25 =	sadd.s32 $0x100, s25  }
0x37: {  	s23 =	sshll.u32 s21, $0x14  }
0x38: {  	s23 =	sor.u32 s8, s23  }
0x39: {  	s24 =	sor.u32 s6, s23  }
0x3a: {  	s24 =	sshrl.u32 s24, $0x3  }
0x3b: {  	s26 =	simm.s32 $0x0;
	s28 =	simm.s32 $0x1C700;
	s25 =	sadd.s32 s5, s24  }
.LBB2_5:
0x3c: {  	p0 =	sne.s32 s26, $0xF80  }
.Ltmp1:
0x3d: {  	_ = 	snop;
	(pc) =	sbr.rel @p0 .LBB2_5-.Ltmp1, $4  }
0x3e: {  	_ = 	snop  }
0x3f: {  	s29 =	sadd.s32 s26, s25  }
0x40: {  	[hbm4b:s29+s3] =	stream.linear.scatter [tilespmem:s28], [sflag:$0x2], $0x80, $0x38;
	[tilespmem:$0x1E700] =	vst v63  }
0x41: {  	s26 =	sadd.s32 $0x80, s26;
	s28 =	sadd.s32 $0x100, s28  }
0x42: {  	s25 =	simm.s32 $0xFFFFFFF8;
	s26 =	simm.s32 $0x1070;
	s28 =	simm.s32 $0x1C7F0  }
.LBB2_7:
0x43: {  	v0 =	vld [tilespmem:s26+$0xFFFFFF90];
	_ =	sdelay $0x7  }
0x44: {  	v0 =	vld.idx.msk [tilespmem:v0+s17+$0x0], $0xffff;
	_ =	sdelay $0x4  }
0x45: {  	[tilespmem:s28+$0xFFFFFF90] =	vst v0  }
0x46: {  	v0 =	vld [tilespmem:s26+$0xFFFFFFA0];
	_ =	sdelay $0x7  }
0x47: {  	v0 =	vld.idx.msk [tilespmem:v0+s17+$0x0], $0xffff;
	_ =	sdelay $0x4  }
0x48: {  	[tilespmem:s28+$0xFFFFFFA0] =	vst v0  }
0x49: {  	v0 =	vld [tilespmem:s26+$0xFFFFFFB0];
	_ =	sdelay $0x7  }
0x4a: {  	v0 =	vld.idx.msk [tilespmem:v0+s17+$0x0], $0xffff;
	_ =	sdelay $0x4  }
0x4b: {  	[tilespmem:s28+$0xFFFFFFB0] =	vst v0  }
0x4c: {  	v0 =	vld [tilespmem:s26+$0xFFFFFFC0];
	_ =	sdelay $0x7  }
0x4d: {  	v0 =	vld.idx.msk [tilespmem:v0+s17+$0x0], $0xffff;
	_ =	sdelay $0x4  }
0x4e: {  	[tilespmem:s28+$0xFFFFFFC0] =	vst v0  }
0x4f: {  	v0 =	vld [tilespmem:s26+$0xFFFFFFD0];
	_ =	sdelay $0x7  }
0x50: {  	v0 =	vld.idx.msk [tilespmem:v0+s17+$0x0], $0xffff;
	_ =	sdelay $0x4  }
0x51: {  	[tilespmem:s28+$0xFFFFFFD0] =	vst v0  }
0x52: {  	v0 =	vld [tilespmem:s26+$0xFFFFFFE0];
	_ =	sdelay $0x7  }
0x53: {  	v0 =	vld.idx.msk [tilespmem:v0+s17+$0x0], $0xffff;
	_ =	sdelay $0x4  }
0x54: {  	[tilespmem:s28+$0xFFFFFFE0] =	vst v0  }
0x55: {  	v0 =	vld [tilespmem:s26+$0xFFFFFFF0];
	_ =	sdelay $0x7  }
0x56: {  	v0 =	vld.idx.msk [tilespmem:v0+s17+$0x0], $0xffff;
	_ =	sdelay $0x4  }
0x57: {  	[tilespmem:s28+$0xFFFFFFF0] =	vst v0  }
0x58: {  	v0 =	vld [tilespmem:s26+$0x0];
	_ =	sdelay $0x6  }
0x59: {  	s25 =	sadd.s32 $0x8, s25  }
0x5a: {  	p0 =	slt.u32 s25, $0xF8;
	v0 =	vld.idx.msk [tilespmem:v0+s17+$0x0], $0xffff  }
.Ltmp2:
0x5b: {  	_ = 	snop;
	(pc) =	sbr.rel @p0 .LBB2_7-.Ltmp2, $2  }
0x5c: {  	_ =	sdelay $0x2  }
0x5d: {  	s26 =	sadd.s32 $0x80, s26;
	[tilespmem:s28+$0x0] =	vst v0;
	s28 =	sadd.s32 $0x100, s28  }
0x5e: {  	s25 =	sadd.s32 s24, s9;
	s26 =	simm.s32 $0x1C780  }
0x5f: {  	s28 =	simm.s32 $0x80;
	s29 =	simm.s32 $0x1C880;
	s30 =	sadd.s32 $0x0, s25  }
.LBB2_9:
0x60: {  	[hbm4b:s30+s3] =	stream.linear.scatter [tilespmem:s26], [sflag:$0x2], $0x80, $0x38;
	[tilespmem:$0x1E700] =	vst v63  }
0x61: {  	s30 =	smov.u32 s28;
	s26 =	smov.u32 s29;
	p0 =	sne.s32 s28, $0xF80  }
.Ltmp3:
0x62: {  	s28 =	sadd.s32 $0x80, s28;
	(pc) =	sbr.rel @p0 .LBB2_9-.Ltmp3, $2  }
0x63: {  	_ =	sdelay $0x2  }
0x64: {  	s29 =	sadd.s32 $0x100, s29;
	s30 =	sadd.s32 s30, s25  }
0x65: {  	[hbm4b:s30+s3] =	stream.linear.scatter [tilespmem:s26], [sflag:$0x2], $0x80, $0x38;
	[tilespmem:$0x1E700] =	vst v63  }
0x66: {  	_ =	swait.ge [sflag:s19], $0x1000  }
0x67: {  	s25 =	simm.s32 $0xFFFFFFF8;
	[sflag:s19] =	ssyncset.done $0x0  }
0x68: {  	s26 =	simm.s32 $0x2070;
	s28 =	simm.s32 $0x1C740;
	[sflag:s19] =	ssyncadd.s32 $0xFFFFF000  }
.LBB2_11:
0x69: {  	v0 =	vld [tilespmem:s26+$0xFFFFFF90];
	_ =	sdelay $0x7  }
0x6a: {  	v0 =	vld.idx.msk [tilespmem:v0+s17+$0x0], $0xffff;
	_ =	sdelay $0x4  }
0x6b: {  	[tilespmem:s28+$0xFFFFFFC0] =	vst v0  }
0x6c: {  	v0 =	vld [tilespmem:s26+$0xFFFFFFA0];
	_ =	sdelay $0x7  }
0x6d: {  	v0 =	vld.idx.msk [tilespmem:v0+s17+$0x0], $0xffff;
	_ =	sdelay $0x4  }
0x6e: {  	[tilespmem:s28+$0xFFFFFFD0] =	vst v0  }
0x6f: {  	v0 =	vld [tilespmem:s26+$0xFFFFFFB0];
	_ =	sdelay $0x7  }
0x70: {  	v0 =	vld.idx.msk [tilespmem:v0+s17+$0x0], $0xffff;
	_ =	sdelay $0x4  }
0x71: {  	[tilespmem:s28+$0xFFFFFFE0] =	vst v0  }
0x72: {  	v0 =	vld [tilespmem:s26+$0xFFFFFFC0];
	_ =	sdelay $0x7  }
0x73: {  	v0 =	vld.idx.msk [tilespmem:v0+s17+$0x0], $0xffff;
	_ =	sdelay $0x4  }
0x74: {  	[tilespmem:s28+$0xFFFFFFF0] =	vst v0  }
0x75: {  	v0 =	vld [tilespmem:s26+$0xFFFFFFD0];
	_ =	sdelay $0x7  }
0x76: {  	v0 =	vld.idx.msk [tilespmem:v0+s17+$0x0], $0xffff;
	_ =	sdelay $0x4  }
0x77: {  	[tilespmem:s28+$0x0] =	vst v0  }
0x78: {  	v0 =	vld [tilespmem:s26+$0xFFFFFFE0];
	_ =	sdelay $0x7  }
0x79: {  	v0 =	vld.idx.msk [tilespmem:v0+s17+$0x0], $0xffff;
	_ =	sdelay $0x4  }
0x7a: {  	[tilespmem:s28+$0x10] =	vst v0  }
0x7b: {  	v0 =	vld [tilespmem:s26+$0xFFFFFFF0];
	_ =	sdelay $0x7  }
0x7c: {  	v0 =	vld.idx.msk [tilespmem:v0+s17+$0x0], $0xffff;
	_ =	sdelay $0x4  }
0x7d: {  	[tilespmem:s28+$0x20] =	vst v0  }
0x7e: {  	v0 =	vld [tilespmem:s26+$0x0];
	_ =	sdelay $0x6  }
0x7f: {  	s25 =	sadd.s32 $0x8, s25  }
0x80: {  	p0 =	slt.u32 s25, $0xF8;
	v0 =	vld.idx.msk [tilespmem:v0+s17+$0x0], $0xffff  }
.Ltmp4:
0x81: {  	_ = 	snop;
	(pc) =	sbr.rel @p0 .LBB2_11-.Ltmp4, $2  }
0x82: {  	_ =	sdelay $0x2  }
0x83: {  	s26 =	sadd.s32 $0x80, s26;
	[tilespmem:s28+$0x30] =	vst v0;
	s28 =	sadd.s32 $0x100, s28  }
0x84: {  	s25 =	sadd.s32 s24, s10;
	s26 =	simm.s32 $0x1C700  }
0x85: {  	s28 =	simm.s32 $0x80;
	s29 =	simm.s32 $0x1C800;
	s30 =	sadd.s32 $0x0, s25  }
.LBB2_13:
0x86: {  	[hbm4b:s30+s3] =	stream.linear.scatter [tilespmem:s26], [sflag:$0x2], $0x80, $0x38;
	[tilespmem:$0x1E700] =	vst v63  }
0x87: {  	s30 =	smov.u32 s28;
	s26 =	smov.u32 s29;
	p0 =	sne.s32 s28, $0xF80  }
.Ltmp5:
0x88: {  	s28 =	sadd.s32 $0x80, s28;
	(pc) =	sbr.rel @p0 .LBB2_13-.Ltmp5, $2  }
0x89: {  	_ =	sdelay $0x2  }
0x8a: {  	s29 =	sadd.s32 $0x100, s29;
	s30 =	sadd.s32 s30, s25  }
0x8b: {  	[hbm4b:s30+s3] =	stream.linear.scatter [tilespmem:s26], [sflag:$0x2], $0x80, $0x38;
	[tilespmem:$0x1E700] =	vst v63  }
0x8c: {  	_ =	swait.ge [sflag:s19], $0x1000  }
0x8d: {  	s25 =	simm.s32 $0xFFFFFFF8;
	[sflag:s19] =	ssyncset.done $0x0  }
0x8e: {  	s26 =	simm.s32 $0x3070;
	s28 =	simm.s32 $0x1C7F0;
	[sflag:s19] =	ssyncadd.s32 $0xFFFFF000  }
.LBB2_15:
0x8f: {  	v0 =	vld [tilespmem:s26+$0xFFFFFF90];
	_ =	sdelay $0x7  }
0x90: {  	v0 =	vld.idx.msk [tilespmem:v0+s17+$0x0], $0xffff;
	_ =	sdelay $0x4  }
0x91: {  	[tilespmem:s28+$0xFFFFFF90] =	vst v0  }
0x92: {  	v0 =	vld [tilespmem:s26+$0xFFFFFFA0];
	_ =	sdelay $0x7  }
0x93: {  	v0 =	vld.idx.msk [tilespmem:v0+s17+$0x0], $0xffff;
	_ =	sdelay $0x4  }
0x94: {  	[tilespmem:s28+$0xFFFFFFA0] =	vst v0  }
0x95: {  	v0 =	vld [tilespmem:s26+$0xFFFFFFB0];
	_ =	sdelay $0x7  }
0x96: {  	v0 =	vld.idx.msk [tilespmem:v0+s17+$0x0], $0xffff;
	_ =	sdelay $0x4  }
0x97: {  	[tilespmem:s28+$0xFFFFFFB0] =	vst v0  }
0x98: {  	v0 =	vld [tilespmem:s26+$0xFFFFFFC0];
	_ =	sdelay $0x7  }
0x99: {  	v0 =	vld.idx.msk [tilespmem:v0+s17+$0x0], $0xffff;
	_ =	sdelay $0x4  }
0x9a: {  	[tilespmem:s28+$0xFFFFFFC0] =	vst v0  }
0x9b: {  	v0 =	vld [tilespmem:s26+$0xFFFFFFD0];
	_ =	sdelay $0x7  }
0x9c: {  	v0 =	vld.idx.msk [tilespmem:v0+s17+$0x0], $0xffff;
	_ =	sdelay $0x4  }
0x9d: {  	[tilespmem:s28+$0xFFFFFFD0] =	vst v0  }
0x9e: {  	v0 =	vld [tilespmem:s26+$0xFFFFFFE0];
	_ =	sdelay $0x7  }
0x9f: {  	v0 =	vld.idx.msk [tilespmem:v0+s17+$0x0], $0xffff;
	_ =	sdelay $0x4  }
0xa0: {  	[tilespmem:s28+$0xFFFFFFE0] =	vst v0  }
0xa1: {  	v0 =	vld [tilespmem:s26+$0xFFFFFFF0];
	_ =	sdelay $0x7  }
0xa2: {  	v0 =	vld.idx.msk [tilespmem:v0+s17+$0x0], $0xffff;
	_ =	sdelay $0x4  }
0xa3: {  	[tilespmem:s28+$0xFFFFFFF0] =	vst v0  }
0xa4: {  	v0 =	vld [tilespmem:s26+$0x0];
	_ =	sdelay $0x6  }
0xa5: {  	s25 =	sadd.s32 $0x8, s25  }
0xa6: {  	p0 =	slt.u32 s25, $0xF8;
	v0 =	vld.idx.msk [tilespmem:v0+s17+$0x0], $0xffff  }
.Ltmp6:
0xa7: {  	_ = 	snop;
	(pc) =	sbr.rel @p0 .LBB2_15-.Ltmp6, $2  }
0xa8: {  	_ =	sdelay $0x2  }
0xa9: {  	s26 =	sadd.s32 $0x80, s26;
	[tilespmem:s28+$0x0] =	vst v0;
	s28 =	sadd.s32 $0x100, s28  }
0xaa: {  	s24 =	sadd.s32 s24, s11;
	s25 =	simm.s32 $0x1C780  }
0xab: {  	s26 =	simm.s32 $0x80;
	s28 =	simm.s32 $0x1C880;
	s29 =	sadd.s32 $0x0, s24  }
.LBB2_17:
0xac: {  	[hbm4b:s29+s3] =	stream.linear.scatter [tilespmem:s25], [sflag:$0x2], $0x80, $0x38;
	[tilespmem:$0x1E700] =	vst v63  }
0xad: {  	s29 =	smov.u32 s26;
	s25 =	smov.u32 s28;
	p0 =	sne.s32 s26, $0xF80  }
.Ltmp7:
0xae: {  	s26 =	sadd.s32 $0x80, s26;
	(pc) =	sbr.rel @p0 .LBB2_17-.Ltmp7, $2  }
0xaf: {  	_ =	sdelay $0x2  }
0xb0: {  	s28 =	sadd.s32 $0x100, s28;
	s29 =	sadd.s32 s29, s24  }
0xb1: {  	[hbm4b:s29+s3] =	stream.linear.scatter [tilespmem:s25], [sflag:$0x2], $0x80, $0x38;
	[tilespmem:$0x1E700] =	vst v63  }
0xb2: {  	_ =	swait.ge [sflag:s19], $0x1000  }
0xb3: {  	[sflag:s19] =	ssyncset.done $0x0  }
0xb4: {  	[sflag:s19] =	ssyncadd.s32 $0xFFFFF000  }
0xb5: {  	s22 =	sor.u32 s12, s22;
	_ =	swait.ge [sflag:s19], $0x1000  }
0xb6: {  	s22 =	sshrl.u32 s22, $0x3;
	[sflag:s19] =	ssyncset.done $0x0  }
0xb7: {  	s22 =	sadd.s32 s2, s22;
	[sflag:s19] =	ssyncadd.s32 $0xFFFFF000  }
0xb8: {  	[tilespmem:s17], [sflag:$0x1] =	stream.strided.gather [hbm4b:s22+s14], $0x18700, s15, s14, $0x38;
	[tilespmem:$0x1E700] =	vst v63  }
0xb9: {  	_ =	swait.ge [sflag:s18], $0x18700  }
0xba: {  	s24 =	simm.s32 $0x40;
	[sflag:s18] =	ssyncset.done $0x0  }
0xbb: {  	s25 =	simm.s32 $0x1C740;
	s22 =	simm.s32 $0xFFFFFFF8;
	[sflag:s18] =	ssyncadd.s32 $0xFFFE7900  }
.LBB2_19:
0xbc: {  	v0 =	vld [tilespmem:s24+$0xFFFFFFC0];
	_ =	sdelay $0x7  }
0xbd: {  	v0 =	vld.idx.msk [tilespmem:v0+s17+$0x0], $0xffff;
	_ =	sdelay $0x4  }
0xbe: {  	[tilespmem:s25+$0xFFFFFFC0] =	vst v0  }
0xbf: {  	v0 =	vld [tilespmem:s24+$0xFFFFFFD0];
	_ =	sdelay $0x7  }
0xc0: {  	v0 =	vld.idx.msk [tilespmem:v0+s17+$0x0], $0xffff;
	_ =	sdelay $0x4  }
0xc1: {  	[tilespmem:s25+$0xFFFFFFD0] =	vst v0  }
0xc2: {  	v0 =	vld [tilespmem:s24+$0xFFFFFFE0];
	_ =	sdelay $0x7  }
0xc3: {  	v0 =	vld.idx.msk [tilespmem:v0+s17+$0x0], $0xffff;
	_ =	sdelay $0x4  }
0xc4: {  	[tilespmem:s25+$0xFFFFFFE0] =	vst v0  }
0xc5: {  	v0 =	vld [tilespmem:s24+$0xFFFFFFF0];
	_ =	sdelay $0x7  }
0xc6: {  	v0 =	vld.idx.msk [tilespmem:v0+s17+$0x0], $0xffff;
	_ =	sdelay $0x4  }
0xc7: {  	[tilespmem:s25+$0xFFFFFFF0] =	vst v0  }
0xc8: {  	v0 =	vld [tilespmem:s24+$0x0];
	_ =	sdelay $0x7  }
0xc9: {  	v0 =	vld.idx.msk [tilespmem:v0+s17+$0x0], $0xffff;
	_ =	sdelay $0x4  }
0xca: {  	[tilespmem:s25+$0x0] =	vst v0  }
0xcb: {  	v0 =	vld [tilespmem:s24+$0x10];
	_ =	sdelay $0x7  }
0xcc: {  	v0 =	vld.idx.msk [tilespmem:v0+s17+$0x0], $0xffff;
	_ =	sdelay $0x4  }
0xcd: {  	[tilespmem:s25+$0x10] =	vst v0  }
0xce: {  	v0 =	vld [tilespmem:s24+$0x20];
	_ =	sdelay $0x7  }
0xcf: {  	v0 =	vld.idx.msk [tilespmem:v0+s17+$0x0], $0xffff;
	_ =	sdelay $0x4  }
0xd0: {  	[tilespmem:s25+$0x20] =	vst v0  }
0xd1: {  	v0 =	vld [tilespmem:s24+$0x30];
	_ =	sdelay $0x6  }
0xd2: {  	s22 =	sadd.s32 $0x8, s22  }
0xd3: {  	p0 =	slt.u32 s22, $0xF8;
	v0 =	vld.idx.msk [tilespmem:v0+s17+$0x0], $0xffff  }
.Ltmp8:
0xd4: {  	_ = 	snop;
	(pc) =	sbr.rel @p0 .LBB2_19-.Ltmp8, $2  }
0xd5: {  	_ =	sdelay $0x2  }
0xd6: {  	s24 =	sadd.s32 $0x80, s24;
	[tilespmem:s25+$0x30] =	vst v0;
	s25 =	sadd.s32 $0x100, s25  }
0xd7: {  	s22 =	sor.u32 s12, s23  }
0xd8: {  	s22 =	sshrl.u32 s22, $0x3  }
0xd9: {  	s24 =	simm.s32 $0x0;
	s25 =	simm.s32 $0x1C700;
	s23 =	sadd.s32 s5, s22  }
.LBB2_21:
0xda: {  	p0 =	sne.s32 s24, $0xF80  }
.Ltmp9:
0xdb: {  	_ = 	snop;
	(pc) =	sbr.rel @p0 .LBB2_21-.Ltmp9, $4  }
0xdc: {  	_ = 	snop  }
0xdd: {  	s26 =	sadd.s32 s24, s23  }
0xde: {  	[hbm4b:s26+s3] =	stream.linear.scatter [tilespmem:s25], [sflag:$0x2], $0x80, $0x38;
	[tilespmem:$0x1E700] =	vst v63  }
0xdf: {  	s24 =	sadd.s32 $0x80, s24;
	s25 =	sadd.s32 $0x100, s25  }
0xe0: {  	s23 =	simm.s32 $0xFFFFFFF8;
	s24 =	simm.s32 $0x1070;
	s25 =	simm.s32 $0x1C7F0  }
.LBB2_23:
0xe1: {  	v0 =	vld [tilespmem:s24+$0xFFFFFF90];
	_ =	sdelay $0x7  }
0xe2: {  	v0 =	vld.idx.msk [tilespmem:v0+s17+$0x0], $0xffff;
	_ =	sdelay $0x4  }
0xe3: {  	[tilespmem:s25+$0xFFFFFF90] =	vst v0  }
0xe4: {  	v0 =	vld [tilespmem:s24+$0xFFFFFFA0];
	_ =	sdelay $0x7  }
0xe5: {  	v0 =	vld.idx.msk [tilespmem:v0+s17+$0x0], $0xffff;
	_ =	sdelay $0x4  }
0xe6: {  	[tilespmem:s25+$0xFFFFFFA0] =	vst v0  }
0xe7: {  	v0 =	vld [tilespmem:s24+$0xFFFFFFB0];
	_ =	sdelay $0x7  }
0xe8: {  	v0 =	vld.idx.msk [tilespmem:v0+s17+$0x0], $0xffff;
	_ =	sdelay $0x4  }
0xe9: {  	[tilespmem:s25+$0xFFFFFFB0] =	vst v0  }
0xea: {  	v0 =	vld [tilespmem:s24+$0xFFFFFFC0];
	_ =	sdelay $0x7  }
0xeb: {  	v0 =	vld.idx.msk [tilespmem:v0+s17+$0x0], $0xffff;
	_ =	sdelay $0x4  }
0xec: {  	[tilespmem:s25+$0xFFFFFFC0] =	vst v0  }
0xed: {  	v0 =	vld [tilespmem:s24+$0xFFFFFFD0];
	_ =	sdelay $0x7  }
0xee: {  	v0 =	vld.idx.msk [tilespmem:v0+s17+$0x0], $0xffff;
	_ =	sdelay $0x4  }
0xef: {  	[tilespmem:s25+$0xFFFFFFD0] =	vst v0  }
0xf0: {  	v0 =	vld [tilespmem:s24+$0xFFFFFFE0];
	_ =	sdelay $0x7  }
0xf1: {  	v0 =	vld.idx.msk [tilespmem:v0+s17+$0x0], $0xffff;
	_ =	sdelay $0x4  }
0xf2: {  	[tilespmem:s25+$0xFFFFFFE0] =	vst v0  }
0xf3: {  	v0 =	vld [tilespmem:s24+$0xFFFFFFF0];
	_ =	sdelay $0x7  }
0xf4: {  	v0 =	vld.idx.msk [tilespmem:v0+s17+$0x0], $0xffff;
	_ =	sdelay $0x4  }
0xf5: {  	[tilespmem:s25+$0xFFFFFFF0] =	vst v0  }
0xf6: {  	v0 =	vld [tilespmem:s24+$0x0];
	_ =	sdelay $0x6  }
0xf7: {  	s23 =	sadd.s32 $0x8, s23  }
0xf8: {  	p0 =	slt.u32 s23, $0xF8;
	v0 =	vld.idx.msk [tilespmem:v0+s17+$0x0], $0xffff  }
.Ltmp10:
0xf9: {  	_ = 	snop;
	(pc) =	sbr.rel @p0 .LBB2_23-.Ltmp10, $2  }
0xfa: {  	_ =	sdelay $0x2  }
0xfb: {  	s24 =	sadd.s32 $0x80, s24;
	[tilespmem:s25+$0x0] =	vst v0;
	s25 =	sadd.s32 $0x100, s25  }
0xfc: {  	s23 =	sadd.s32 s22, s9;
	s24 =	simm.s32 $0x1C780  }
0xfd: {  	s25 =	simm.s32 $0x80;
	s26 =	simm.s32 $0x1C880;
	s28 =	sadd.s32 $0x0, s23  }
.LBB2_25:
0xfe: {  	[hbm4b:s28+s3] =	stream.linear.scatter [tilespmem:s24], [sflag:$0x2], $0x80, $0x38;
	[tilespmem:$0x1E700] =	vst v63  }
0xff: {  	s28 =	smov.u32 s25;
	s24 =	smov.u32 s26;
	p0 =	sne.s32 s25, $0xF80  }
.Ltmp11:
0x100: {  	s25 =	sadd.s32 $0x80, s25;
	(pc) =	sbr.rel @p0 .LBB2_25-.Ltmp11, $2  }
0x101: {  	_ =	sdelay $0x2  }
0x102: {  	s26 =	sadd.s32 $0x100, s26;
	s28 =	sadd.s32 s28, s23  }
0x103: {  	[hbm4b:s28+s3] =	stream.linear.scatter [tilespmem:s24], [sflag:$0x2], $0x80, $0x38;
	[tilespmem:$0x1E700] =	vst v63  }
0x104: {  	_ =	swait.ge [sflag:s19], $0x1000  }
0x105: {  	s23 =	simm.s32 $0xFFFFFFF8;
	[sflag:s19] =	ssyncset.done $0x0  }
0x106: {  	s24 =	simm.s32 $0x2070;
	s25 =	simm.s32 $0x1C740;
	[sflag:s19] =	ssyncadd.s32 $0xFFFFF000  }
.LBB2_27:
0x107: {  	v0 =	vld [tilespmem:s24+$0xFFFFFF90];
	_ =	sdelay $0x7  }
0x108: {  	v0 =	vld.idx.msk [tilespmem:v0+s17+$0x0], $0xffff;
	_ =	sdelay $0x4  }
0x109: {  	[tilespmem:s25+$0xFFFFFFC0] =	vst v0  }
0x10a: {  	v0 =	vld [tilespmem:s24+$0xFFFFFFA0];
	_ =	sdelay $0x7  }
0x10b: {  	v0 =	vld.idx.msk [tilespmem:v0+s17+$0x0], $0xffff;
	_ =	sdelay $0x4  }
0x10c: {  	[tilespmem:s25+$0xFFFFFFD0] =	vst v0  }
0x10d: {  	v0 =	vld [tilespmem:s24+$0xFFFFFFB0];
	_ =	sdelay $0x7  }
0x10e: {  	v0 =	vld.idx.msk [tilespmem:v0+s17+$0x0], $0xffff;
	_ =	sdelay $0x4  }
0x10f: {  	[tilespmem:s25+$0xFFFFFFE0] =	vst v0  }
0x110: {  	v0 =	vld [tilespmem:s24+$0xFFFFFFC0];
	_ =	sdelay $0x7  }
0x111: {  	v0 =	vld.idx.msk [tilespmem:v0+s17+$0x0], $0xffff;
	_ =	sdelay $0x4  }
0x112: {  	[tilespmem:s25+$0xFFFFFFF0] =	vst v0  }
0x113: {  	v0 =	vld [tilespmem:s24+$0xFFFFFFD0];
	_ =	sdelay $0x7  }
0x114: {  	v0 =	vld.idx.msk [tilespmem:v0+s17+$0x0], $0xffff;
	_ =	sdelay $0x4  }
0x115: {  	[tilespmem:s25+$0x0] =	vst v0  }
0x116: {  	v0 =	vld [tilespmem:s24+$0xFFFFFFE0];
	_ =	sdelay $0x7  }
0x117: {  	v0 =	vld.idx.msk [tilespmem:v0+s17+$0x0], $0xffff;
	_ =	sdelay $0x4  }
0x118: {  	[tilespmem:s25+$0x10] =	vst v0  }
0x119: {  	v0 =	vld [tilespmem:s24+$0xFFFFFFF0];
	_ =	sdelay $0x7  }
0x11a: {  	v0 =	vld.idx.msk [tilespmem:v0+s17+$0x0], $0xffff;
	_ =	sdelay $0x4  }
0x11b: {  	[tilespmem:s25+$0x20] =	vst v0  }
0x11c: {  	v0 =	vld [tilespmem:s24+$0x0];
	_ =	sdelay $0x6  }
0x11d: {  	s23 =	sadd.s32 $0x8, s23  }
0x11e: {  	p0 =	slt.u32 s23, $0xF8;
	v0 =	vld.idx.msk [tilespmem:v0+s17+$0x0], $0xffff  }
.Ltmp12:
0x11f: {  	_ = 	snop;
	(pc) =	sbr.rel @p0 .LBB2_27-.Ltmp12, $2  }
0x120: {  	_ =	sdelay $0x2  }
0x121: {  	s24 =	sadd.s32 $0x80, s24;
	[tilespmem:s25+$0x30] =	vst v0;
	s25 =	sadd.s32 $0x100, s25  }
0x122: {  	s23 =	sadd.s32 s22, s10;
	s24 =	simm.s32 $0x1C700  }
0x123: {  	s25 =	simm.s32 $0x80;
	s26 =	simm.s32 $0x1C800;
	s28 =	sadd.s32 $0x0, s23  }
.LBB2_29:
0x124: {  	[hbm4b:s28+s3] =	stream.linear.scatter [tilespmem:s24], [sflag:$0x2], $0x80, $0x38;
	[tilespmem:$0x1E700] =	vst v63  }
0x125: {  	s28 =	smov.u32 s25;
	s24 =	smov.u32 s26;
	p0 =	sne.s32 s25, $0xF80  }
.Ltmp13:
0x126: {  	s25 =	sadd.s32 $0x80, s25;
	(pc) =	sbr.rel @p0 .LBB2_29-.Ltmp13, $2  }
0x127: {  	_ =	sdelay $0x2  }
0x128: {  	s26 =	sadd.s32 $0x100, s26;
	s28 =	sadd.s32 s28, s23  }
0x129: {  	[hbm4b:s28+s3] =	stream.linear.scatter [tilespmem:s24], [sflag:$0x2], $0x80, $0x38;
	[tilespmem:$0x1E700] =	vst v63  }
0x12a: {  	_ =	swait.ge [sflag:s19], $0x1000  }
0x12b: {  	s23 =	simm.s32 $0xFFFFFFF8;
	[sflag:s19] =	ssyncset.done $0x0  }
0x12c: {  	s24 =	simm.s32 $0x3070;
	s25 =	simm.s32 $0x1C7F0;
	[sflag:s19] =	ssyncadd.s32 $0xFFFFF000  }
.LBB2_31:
0x12d: {  	v0 =	vld [tilespmem:s24+$0xFFFFFF90];
	_ =	sdelay $0x7  }
0x12e: {  	v0 =	vld.idx.msk [tilespmem:v0+s17+$0x0], $0xffff;
	_ =	sdelay $0x4  }
0x12f: {  	[tilespmem:s25+$0xFFFFFF90] =	vst v0  }
0x130: {  	v0 =	vld [tilespmem:s24+$0xFFFFFFA0];
	_ =	sdelay $0x7  }
0x131: {  	v0 =	vld.idx.msk [tilespmem:v0+s17+$0x0], $0xffff;
	_ =	sdelay $0x4  }
0x132: {  	[tilespmem:s25+$0xFFFFFFA0] =	vst v0  }
0x133: {  	v0 =	vld [tilespmem:s24+$0xFFFFFFB0];
	_ =	sdelay $0x7  }
0x134: {  	v0 =	vld.idx.msk [tilespmem:v0+s17+$0x0], $0xffff;
	_ =	sdelay $0x4  }
0x135: {  	[tilespmem:s25+$0xFFFFFFB0] =	vst v0  }
0x136: {  	v0 =	vld [tilespmem:s24+$0xFFFFFFC0];
	_ =	sdelay $0x7  }
0x137: {  	v0 =	vld.idx.msk [tilespmem:v0+s17+$0x0], $0xffff;
	_ =	sdelay $0x4  }
0x138: {  	[tilespmem:s25+$0xFFFFFFC0] =	vst v0  }
0x139: {  	v0 =	vld [tilespmem:s24+$0xFFFFFFD0];
	_ =	sdelay $0x7  }
0x13a: {  	v0 =	vld.idx.msk [tilespmem:v0+s17+$0x0], $0xffff;
	_ =	sdelay $0x4  }
0x13b: {  	[tilespmem:s25+$0xFFFFFFD0] =	vst v0  }
0x13c: {  	v0 =	vld [tilespmem:s24+$0xFFFFFFE0];
	_ =	sdelay $0x7  }
0x13d: {  	v0 =	vld.idx.msk [tilespmem:v0+s17+$0x0], $0xffff;
	_ =	sdelay $0x4  }
0x13e: {  	[tilespmem:s25+$0xFFFFFFE0] =	vst v0  }
0x13f: {  	v0 =	vld [tilespmem:s24+$0xFFFFFFF0];
	_ =	sdelay $0x7  }
0x140: {  	v0 =	vld.idx.msk [tilespmem:v0+s17+$0x0], $0xffff;
	_ =	sdelay $0x4  }
0x141: {  	[tilespmem:s25+$0xFFFFFFF0] =	vst v0  }
0x142: {  	v0 =	vld [tilespmem:s24+$0x0];
	_ =	sdelay $0x6  }
0x143: {  	s23 =	sadd.s32 $0x8, s23  }
0x144: {  	p0 =	slt.u32 s23, $0xF8;
	v0 =	vld.idx.msk [tilespmem:v0+s17+$0x0], $0xffff  }
.Ltmp14:
0x145: {  	_ = 	snop;
	(pc) =	sbr.rel @p0 .LBB2_31-.Ltmp14, $2  }
0x146: {  	_ =	sdelay $0x2  }
0x147: {  	s24 =	sadd.s32 $0x80, s24;
	[tilespmem:s25+$0x0] =	vst v0;
	s25 =	sadd.s32 $0x100, s25  }
0x148: {  	s22 =	sadd.s32 s22, s11;
	s23 =	simm.s32 $0x1C780  }
0x149: {  	s24 =	simm.s32 $0x80;
	s25 =	simm.s32 $0x1C880;
	s26 =	sadd.s32 $0x0, s22  }
.LBB2_33:
0x14a: {  	[hbm4b:s26+s3] =	stream.linear.scatter [tilespmem:s23], [sflag:$0x2], $0x80, $0x38;
	[tilespmem:$0x1E700] =	vst v63  }
0x14b: {  	s26 =	smov.u32 s24;
	s23 =	smov.u32 s25;
	p0 =	sne.s32 s24, $0xF80  }
.Ltmp15:
0x14c: {  	s24 =	sadd.s32 $0x80, s24;
	(pc) =	sbr.rel @p0 .LBB2_33-.Ltmp15, $2  }
0x14d: {  	_ =	sdelay $0x2  }
0x14e: {  	s25 =	sadd.s32 $0x100, s25;
	s26 =	sadd.s32 s26, s22  }
0x14f: {  	[hbm4b:s26+s3] =	stream.linear.scatter [tilespmem:s23], [sflag:$0x2], $0x80, $0x38;
	[tilespmem:$0x1E700] =	vst v63  }
0x150: {  	s21 =	sadd.s32 $0x1, s21  }
0x151: {  	_ =	swait.ge [sflag:s19], $0x1000;
	p0 =	sne.s32 s21, $0x1A  }
.Ltmp16:
0x152: {  	[sflag:s19] =	ssyncset.done $0x0;
	(pc) =	sbr.rel @p0 .LBB2_2-.Ltmp16, $4  }
0x153: {  	[sflag:s19] =	ssyncadd.s32 $0xFFFFF000  }
0x154: {  	_ =	swait.ge [sflag:s19], $0x1000  }
0x155: {  	[sflag:s19] =	ssyncset.done $0x0  }
0x156: {  	[sflag:s19] =	ssyncadd.s32 $0xFFFFF000  }
0x157: {  	s20 =	sadd.s32 $0x1, s20  }
0x158: {  	p0 =	sne.s32 s20, s13  }
.Ltmp17:
0x159: {  	_ = 	snop;
	(pc) =	sbr.rel @p0 .LBB2_1-.Ltmp17, $1  }
0x15a: {  	_ =	sdelay $0x3  }
0x15b: {  	_ =	sfence.sel $0x180000  }
0x15c: {  	[bflag:$0x0] =	sbarrier.arrive $0xFFFF  }
0x15d: {  	p0 =	sne.s32 s4, $0x0;
	_ =	strace $0x90000047  }
0x15e: {  	s0 =	sadd.s32 @!p0 $0x100000, s0;
	[bflag:$0x2] =	sbarrier.arrive $0xFFFF  }
0x15f: {  	[sflag:s0] =	ssyncadd.tile.s32 @!p0 $0x1;
	_ =	shalt  }
.Lfunc_end2:
_tile_overlayer_lowered:
.L_overlay_start_2:
0x160: {  	(tag) =	ssettag $0x2  }
0x161: {  	s0 =	rddreg [dreg:$0x0];
	s2 =	stileid.u32  }
0x162: {  	s1 =	rddreg [dreg:$0x1];
	p0 =	sne.s32 s2, $0x0  }
0x163: {  	s3 =	rddreg [dreg:$0x2];
	[bflag:$0x3] =	sbarrier.arrive $0xFFFF;
	s2 =	simm.s32 @!p0 $0x1C03  }
0x164: {  	[timem:s3], [sflag:s2] =	dma.local @!p0 [hbm:s0], s1  }
0x165: {  	s0 =	simm.s32 @!p0 $0x3  }
0x166: {  	_ =	swait.ge @!p0 [sflag:s0], s1  }
0x167: {  	s1 =	ssub.s32 @!p0 $0x0, s1;
	[sflag:s0] =	ssyncset.done @!p0 $0x0  }
0x168: {  	[sflag:s0] =	ssyncadd.s32 @!p0 s1  }
0x169: {  	[bflag:$0x3] =	sbarrier.arrive $0xFFFF  }
0x16a: {  	_ =	shalt  }

</sc_bundles>
